<compile_context>
chip_gen: v7x
topology: tpu7x:2x2x1
jax: 0.10.2.dev20260603
libtpu: 0.0.44.dev20260713+nightly
codegen_flags: <defaults>
</compile_context>

<pallas_src>
import functools

import jax
import jax.numpy as jnp
from jax import lax
from jax.experimental import pallas as pl
from jax.experimental.pallas import tpu as pltpu
from jax.experimental.pallas import tpu_sc as plsc

H = 128
L_OBS = 200
L_CMD = 50
N_CMD = 128

_NC = 2
_NS = 16
_NW = _NC * _NS
_CHUNK = 104
_NCHUNK = 2
_TOT = _NW * _NCHUNK * _CHUNK


def _sc_gather(table, idx):
    mesh = plsc.VectorSubcoreMesh(core_axis_name="c", subcore_axis_name="s")

    @functools.partial(
        pl.kernel,
        mesh=mesh,
        out_type=jax.ShapeDtypeStruct((_NW, _NCHUNK, _CHUNK, H), jnp.float32),
        scratch_types=[
            pltpu.VMEM((_NCHUNK, _CHUNK), jnp.int32),
            pltpu.VMEM((_NCHUNK, _CHUNK, H), jnp.float32),
            pltpu.SemaphoreType.DMA,
        ],
    )
    def gather_kernel(table_hbm, idx_hbm, out_hbm, idx_v, rows_v, sem):
        wid = lax.axis_index("s") * _NC + lax.axis_index("c")
        pltpu.sync_copy(idx_hbm.at[wid], idx_v)
        gathers = [
            pltpu.async_copy(table_hbm.at[idx_v.at[j]], rows_v.at[j], sem)
            for j in range(_NCHUNK)
        ]
        for cp in gathers:
            cp.wait()
        pltpu.sync_copy(rows_v, out_hbm.at[wid])

    return gather_kernel(table, idx)


def _gru_gates(gi, gh, h):
    r = jax.nn.sigmoid(gi[:, :H] + gh[:, :H])
    z = jax.nn.sigmoid(gi[:, H:2 * H] + gh[:, H:2 * H])
    n = jnp.tanh(gi[:, 2 * H:] + r * gh[:, 2 * H:])
    return (1.0 - z) * n + z * h


def _tc_body(g_ref, obs_wih_ref, obs_whh_ref, obs_bih_ref, obs_bhh_ref,
             cmd_wih_ref, cmd_whh_ref, cmd_bih_ref, cmd_bhh_ref,
             w1a_ref, w1b_ref, b1_ref, w2_ref, b2_ref, w3_ref, b3_ref,
             w4_ref, b4_ref, out_ref, gi_obs, gi_cmd):
    f32 = jnp.float32
    gi_obs[:] = (jnp.dot(g_ref[0:L_OBS, :], obs_wih_ref[:],
                         preferred_element_type=f32) + obs_bih_ref[:])
    gi_cmd[:] = (jnp.dot(g_ref[pl.ds(L_OBS, L_CMD * N_CMD), :],
                         cmd_wih_ref[:],
                         preferred_element_type=f32) + cmd_bih_ref[:])
    obs_whh = obs_whh_ref[:]
    obs_bhh = obs_bhh_ref[:]
    cmd_whh = cmd_whh_ref[:]
    cmd_bhh = cmd_bhh_ref[:]

    def fused_outer(o, carry):
        h_o, h_c = carry
        win = gi_obs[pl.ds(o * 8, 8), :]
        for j in range(8):
            gi = win[j:j + 1, :]
            gh = jnp.dot(h_o, obs_whh, preferred_element_type=f32) + obs_bhh
            h_o = _gru_gates(gi, gh, h_o)
        for j in range(2):
            t = o * 2 + j
            gi = gi_cmd[pl.ds(t * N_CMD, N_CMD), :]
            gh = jnp.dot(h_c, cmd_whh, preferred_element_type=f32) + cmd_bhh
            h_c = _gru_gates(gi, gh, h_c)
        return (h_o, h_c)

    h_obs, h_cmd = lax.fori_loop(
        0, L_OBS // 8, fused_outer,
        (jnp.zeros((1, H), f32), jnp.zeros((N_CMD, H), f32)))

    hobs3 = jnp.concatenate([h_obs, h_obs, h_obs], axis=1)
    xb = jnp.dot(hobs3, w1b_ref[:], preferred_element_type=f32)
    x1 = jax.nn.relu(jnp.dot(h_cmd, w1a_ref[:], preferred_element_type=f32)
                     + xb + b1_ref[:])
    x2 = jax.nn.relu(jnp.dot(x1, w2_ref[:], preferred_element_type=f32)
                     + b2_ref[:])
    x3 = jax.nn.relu(jnp.dot(x2, w3_ref[:], preferred_element_type=f32)
                     + b3_ref[:])
    out_ref[:] = (jnp.dot(x3, w4_ref[:], preferred_element_type=f32)
                  + b4_ref[:])


def _tc_forward(g, obs_W_ih, obs_W_hh, obs_b_ih, obs_b_hh,
                cmd_W_ih, cmd_W_hh, cmd_b_ih, cmd_b_hh,
                dqn_W1, dqn_b1, dqn_W2, dqn_b2, dqn_W3, dqn_b3,
                dqn_W4, dqn_b4, interpret=False):
    w1t = dqn_W1.T
    scores = pl.pallas_call(
        _tc_body,
        out_shape=jax.ShapeDtypeStruct((N_CMD, H), jnp.float32),
        scratch_shapes=[pltpu.VMEM((L_OBS, 3 * H), jnp.float32),
                        pltpu.VMEM((L_CMD * N_CMD, 3 * H), jnp.float32)],
        interpret=interpret,
    )(
        g,
        obs_W_ih.T, obs_W_hh.T,
        obs_b_ih.reshape(1, -1), obs_b_hh.reshape(1, -1),
        cmd_W_ih.T, cmd_W_hh.T,
        cmd_b_ih.reshape(1, -1), cmd_b_hh.reshape(1, -1),
        w1t[:H], w1t[H:], dqn_b1.reshape(1, -1),
        dqn_W2.T, dqn_b2.reshape(1, -1),
        dqn_W3.T, dqn_b3.reshape(1, -1),
        jnp.pad(dqn_W4.T, ((0, 0), (0, H - 1))), dqn_b4.reshape(1, 1),
    )
    return scores[:, :1]


def kernel(obs, commands, embedding,
           obs_W_ih, obs_W_hh, obs_b_ih, obs_b_hh,
           cmd_W_ih, cmd_W_hh, cmd_b_ih, cmd_b_hh,
           ctrl_W_ih, ctrl_W_hh, ctrl_b_ih, ctrl_b_hh,
           reader_W1, reader_b1, reader_W2, reader_b2,
           dqn_W1, dqn_b1, dqn_W2, dqn_b2,
           dqn_W3, dqn_b3, dqn_W4, dqn_b4):
    idx = jnp.concatenate(
        [obs.reshape(-1), commands.reshape(-1)]).astype(jnp.int32)
    idx = jnp.pad(idx, (0, _TOT - idx.shape[0]))
    idx = idx.reshape(_NW, _NCHUNK, _CHUNK)
    g = _sc_gather(embedding, idx).reshape(_TOT, H)
    return _tc_forward(g, obs_W_ih, obs_W_hh, obs_b_ih, obs_b_hh,
                       cmd_W_ih, cmd_W_hh, cmd_b_ih, cmd_b_hh,
                       dqn_W1, dqn_b1, dqn_W2, dqn_b2, dqn_W3, dqn_b3,
                       dqn_W4, dqn_b4)

# --- scband reference (transcript-rebuilt; emitter-appended) ---
"""Pipeline reference for scband-memory-net-25907242729543 (READ-ONLY COPY).

The authoritative reference and input builder live on the scoring server;
editing this copy changes nothing except your own understanding.
"""

import jax, jax.numpy as jnp
import numpy as np

H = 128
K = 3
VOCAB = 100000
L_OBS = 200
L_CMD = 50
N_CMD = 128


def _gru_scan(x, W_ih, W_hh, b_ih, b_hh, h0):
    # x: [L, B, H]; PyTorch nn.GRU cell semantics
    def step(h, xt):
        gi = xt @ W_ih.T + b_ih
        gh = h @ W_hh.T + b_hh
        i_r, i_z, i_n = jnp.split(gi, 3, axis=-1)
        h_r, h_z, h_n = jnp.split(gh, 3, axis=-1)
        r = jax.nn.sigmoid(i_r + h_r)
        z = jax.nn.sigmoid(i_z + h_z)
        n = jnp.tanh(i_n + r * h_n)
        h_new = (1.0 - z) * n + z * h
        return h_new, h_new
    h_last, outs = jax.lax.scan(step, h0, x)
    return outs, h_last


def _cosine(a, b, eps=1e-8):
    na = jnp.maximum(jnp.linalg.norm(a, axis=-1), eps)
    nb = jnp.maximum(jnp.linalg.norm(b, axis=-1), eps)
    return jnp.sum(a * b, axis=-1) / (na * nb)


def setup_inputs(seed=0):
    key = jax.random.key(seed)
    ks = jax.random.split(key, 40)
    s = 0.05
    d = {}
    d["obs"] = jax.random.randint(ks[0], (L_OBS, 1), 0, VOCAB)
    d["commands"] = jax.random.randint(ks[1], (L_CMD, N_CMD), 0, VOCAB)
    d["embedding"] = jax.random.normal(ks[2], (VOCAB, H), dtype=jnp.float32) * s
    i = 3
    for pre in ["obs", "cmd", "ctrl"]:
        d[pre + "_W_ih"] = jax.random.normal(ks[i], (3 * H, H), dtype=jnp.float32) * s; i += 1
        d[pre + "_W_hh"] = jax.random.normal(ks[i], (3 * H, H), dtype=jnp.float32) * s; i += 1
        d[pre + "_b_ih"] = jax.random.normal(ks[i], (3 * H,), dtype=jnp.float32) * s; i += 1
        d[pre + "_b_hh"] = jax.random.normal(ks[i], (3 * H,), dtype=jnp.float32) * s; i += 1
    d["reader_W1"] = jax.random.normal(ks[i], (H, H), dtype=jnp.float32) * s; i += 1
    d["reader_b1"] = jax.random.normal(ks[i], (H,), dtype=jnp.float32) * s; i += 1
    d["reader_W2"] = jax.random.normal(ks[i], (K * H, H), dtype=jnp.float32) * s; i += 1
    d["reader_b2"] = jax.random.normal(ks[i], (K * H,), dtype=jnp.float32) * s; i += 1
    din = H + K * H  # 512
    dims = [din, int(din * 0.75), int(din * 0.5), int(din * 0.25), 1]
    for j in range(4):
        d["dqn_W%d" % (j + 1)] = jax.random.normal(ks[i], (dims[j + 1], dims[j]), dtype=jnp.float32) * s; i += 1
        d["dqn_b%d" % (j + 1)] = jax.random.normal(ks[i], (dims[j + 1],), dtype=jnp.float32) * s; i += 1
    return d


def _forward(p, obs, commands):
    emb = p["embedding"]
    obs_e = jnp.take(emb, obs, axis=0)  # [L_obs, 1, H] gather
    _, h_obs = _gru_scan(obs_e, p["obs_W_ih"], p["obs_W_hh"], p["obs_b_ih"], p["obs_b_hh"], jnp.zeros((obs.shape[1], H), jnp.float32))
    cmd_e = jnp.take(emb, commands, axis=0)  # [L_cmd, N_cmd, H] gather
    _, h_cmd = _gru_scan(cmd_e, p["cmd_W_ih"], p["cmd_W_hh"], p["cmd_b_ih"], p["cmd_b_hh"], jnp.zeros((commands.shape[1], H), jnp.float32))
    ctrl_outs, _ = _gru_scan(h_obs[None, :, :], p["ctrl_W_ih"], p["ctrl_W_hh"], p["ctrl_b_ih"], p["ctrl_b_hh"], jnp.zeros((1, H), jnp.float32))
    ctrl = ctrl_outs[0]  # [1, H]
    # first-call path: memory initialized with the observation encoding
    states = h_obs  # [1, H]
    r = jax.nn.relu(ctrl @ p["reader_W1"].T + p["reader_b1"])
    keys_r = (r @ p["reader_W2"].T + p["reader_b2"]).reshape(K, H)
    sims = jax.vmap(lambda k: _cosine(states, k[None, :]))(keys_r)  # [K, n_mem]
    weights = jax.nn.softmax(sims, axis=1)
    state_input = (weights @ states).reshape(-1)  # [K*H] attention-read from memory
    n_cmd = h_cmd.shape[0]
    x = jnp.concatenate([h_cmd, jnp.broadcast_to(state_input, (n_cmd, K * H))], axis=-1)
    x = jax.nn.relu(x @ p["dqn_W1"].T + p["dqn_b1"])
    x = jax.nn.relu(x @ p["dqn_W2"].T + p["dqn_b2"])
    x = jax.nn.relu(x @ p["dqn_W3"].T + p["dqn_b3"])
    scores = x @ p["dqn_W4"].T + p["dqn_b4"]  # [n_cmd, 1]
    return scores


def reference(obs, commands, embedding,
              obs_W_ih, obs_W_hh, obs_b_ih, obs_b_hh,
              cmd_W_ih, cmd_W_hh, cmd_b_ih, cmd_b_hh,
              ctrl_W_ih, ctrl_W_hh, ctrl_b_ih, ctrl_b_hh,
              reader_W1, reader_b1, reader_W2, reader_b2,
              dqn_W1, dqn_b1, dqn_W2, dqn_b2,
              dqn_W3, dqn_b3, dqn_W4, dqn_b4):
    p = {
        "embedding": embedding,
        "obs_W_ih": obs_W_ih, "obs_W_hh": obs_W_hh, "obs_b_ih": obs_b_ih, "obs_b_hh": obs_b_hh,
        "cmd_W_ih": cmd_W_ih, "cmd_W_hh": cmd_W_hh, "cmd_b_ih": cmd_b_ih, "cmd_b_hh": cmd_b_hh,
        "ctrl_W_ih": ctrl_W_ih, "ctrl_W_hh": ctrl_W_hh, "ctrl_b_ih": ctrl_b_ih, "ctrl_b_hh": ctrl_b_hh,
        "reader_W1": reader_W1, "reader_b1": reader_b1,
        "reader_W2": reader_W2, "reader_b2": reader_b2,
        "dqn_W1": dqn_W1, "dqn_b1": dqn_b1,
        "dqn_W2": dqn_W2, "dqn_b2": dqn_b2,
        "dqn_W3": dqn_W3, "dqn_b3": dqn_b3,
        "dqn_W4": dqn_W4, "dqn_b4": dqn_b4,
    }
    return _forward(p, obs, commands)

if __name__ == "__main__":
    import jax
    _d = setup_inputs()
    print(jax.jit(kernel)(*tuple(_d.values())))

</pallas_src>

<mosaic_0001>
#map = affine_map<(d0, d1) -> (0, 0)>
#map1 = affine_map<(d0, d1) -> (0, 0, 0)>
#map2 = affine_map<(d0, d1) -> (0, 0, 0, 0)>
module attributes {stable_mosaic.version = 14 : i64} {
  func.func @gather_kernel(%arg0: i32, %arg1: i32, %arg2: memref<100000x128xf32, #tpu.memory_space<hbm>>, %arg3: memref<32x2x104xi32, #tpu.memory_space<hbm>>, %arg4: memref<32x2x104x128xf32, #tpu.memory_space<hbm>>, %arg5: memref<2x104xi32, #tpu.memory_space<vmem>>, %arg6: memref<2x104x128xf32, #tpu.memory_space<vmem>>, %arg7: memref<!tpu.dma_semaphore, #tpu.memory_space<semaphore_mem>>) attributes {dimension_semantics = [#tpu.dimension_semantics<core_parallel>, #tpu.dimension_semantics<subcore_parallel>], iteration_bounds = array<i64: 2, 16>, scalar_prefetch = 0 : i64, scratch_operands = 3 : i64, tpu.core_type = #tpu.core_type<sc_vector_subcore>, window_params = [{transform_indices = #map}, {transform_indices = #map1}, {transform_indices = #map2}]} {
    %mul3A = arith.constant 2 : i32
    %mul3A_0 = arith.muli %arg1, %mul3A : i32
    %add3A = arith.addi %mul3A_0, %arg0 : i32
    "tpu.region"() ({
      %run_scoped3A = tpu.sem_alloc : memref<!tpu.dma_semaphore, #tpu.memory_space<semaphore_mem>>
      %dma_start3A_47 = arith.constant 0 : i32
      %dma_start3A_48 = arith.constant 0 : i32
      %dma_start3A_49 = tpu.memref_slice %arg3[%add3A, %dma_start3A_47, %dma_start3A_48] : memref<32x2x104xi32, #tpu.memory_space<hbm>> -> memref<1x2x104xi32, #tpu.memory_space<hbm>>
      %dma_start3A_50 = tpu.memref_squeeze %dma_start3A_49 : memref<1x2x104xi32, #tpu.memory_space<hbm>> -> memref<2x104xi32, #tpu.memory_space<hbm>>
      %dma_start3A_51 = arith.constant 0 : i32
      %dma_start3A_52 = arith.constant 0 : i32
      %dma_start3A_53 = tpu.memref_slice %arg3[%add3A, %dma_start3A_51, %dma_start3A_52] : memref<32x2x104xi32, #tpu.memory_space<hbm>> -> memref<1x2x104xi32, #tpu.memory_space<hbm>>
      %dma_start3A_54 = tpu.memref_squeeze %dma_start3A_53 : memref<1x2x104xi32, #tpu.memory_space<hbm>> -> memref<2x104xi32, #tpu.memory_space<hbm>>
      tpu.enqueue_dma source(%dma_start3A_54 : memref<2x104xi32, #tpu.memory_space<hbm>>) target(%arg5 : memref<2x104xi32, #tpu.memory_space<vmem>>) target_semaphore(%run_scoped3A : memref<!tpu.dma_semaphore, #tpu.memory_space<semaphore_mem>>)
      %dma_wait3A_55 = arith.constant 0 : i32
      %dma_wait3A_56 = arith.constant 0 : i32
      %dma_wait3A_57 = tpu.memref_slice %arg3[%add3A, %dma_wait3A_55, %dma_wait3A_56] : memref<32x2x104xi32, #tpu.memory_space<hbm>> -> memref<1x2x104xi32, #tpu.memory_space<hbm>>
      %dma_wait3A_58 = tpu.memref_squeeze %dma_wait3A_57 : memref<1x2x104xi32, #tpu.memory_space<hbm>> -> memref<2x104xi32, #tpu.memory_space<hbm>>
      %dma_wait3A_59 = arith.constant 0 : i32
      %dma_wait3A_60 = arith.constant 0 : i32
      %dma_wait3A_61 = tpu.memref_slice %arg3[%add3A, %dma_wait3A_59, %dma_wait3A_60] : memref<32x2x104xi32, #tpu.memory_space<hbm>> -> memref<1x2x104xi32, #tpu.memory_space<hbm>>
      %dma_wait3A_62 = tpu.memref_squeeze %dma_wait3A_61 : memref<1x2x104xi32, #tpu.memory_space<hbm>> -> memref<2x104xi32, #tpu.memory_space<hbm>>
      tpu.wait_dma2 semaphore(%run_scoped3A : memref<!tpu.dma_semaphore, #tpu.memory_space<semaphore_mem>>) src(%dma_wait3A_62 : memref<2x104xi32, #tpu.memory_space<hbm>>) dst(%arg5 : memref<2x104xi32, #tpu.memory_space<vmem>>)
      tpu.yield
    }) : () -> ()
    %dma_start3A = arith.constant 0 : i32
    %dma_start3A_1 = arith.constant 0 : i32
    %dma_start3A_2 = arith.constant 0 : i32
    %dma_start3A_3 = arith.constant 0 : i32
    %dma_start3A_4 = tpu.memref_slice %arg6[%dma_start3A_1, %dma_start3A_2, %dma_start3A_3] : memref<2x104x128xf32, #tpu.memory_space<vmem>> -> memref<1x104x128xf32, #tpu.memory_space<vmem>>
    %dma_start3A_5 = tpu.memref_squeeze %dma_start3A_4 : memref<1x104x128xf32, #tpu.memory_space<vmem>> -> memref<104x128xf32, #tpu.memory_space<vmem>>
    %dma_start3A_6 = arith.constant 0 : i32
    %dma_start3A_7 = tpu.memref_slice %arg5[%dma_start3A, %dma_start3A_6] : memref<2x104xi32, #tpu.memory_space<vmem>> -> memref<1x104xi32, #tpu.memory_space<vmem>>
    %dma_start3A_8 = tpu.memref_squeeze %dma_start3A_7 : memref<1x104xi32, #tpu.memory_space<vmem>> -> memref<104xi32, #tpu.memory_space<vmem>>
    %dma_start3A_9 = arith.constant 0 : i32
    %dma_start3A_10 = arith.constant 0 : i32
    %dma_start3A_11 = tpu.memref_slice %arg2[%dma_start3A_9, %dma_start3A_10] : memref<100000x128xf32, #tpu.memory_space<hbm>> -> memref<100000x128xf32, #tpu.memory_space<hbm>>
    tpu.enqueue_indirect_dma source(%dma_start3A_11 : memref<100000x128xf32, #tpu.memory_space<hbm>>) target(%dma_start3A_5 : memref<104x128xf32, #tpu.memory_space<vmem>>) offsets(%dma_start3A_8 : memref<104xi32, #tpu.memory_space<vmem>>) semaphore(%arg7 : memref<!tpu.dma_semaphore, #tpu.memory_space<semaphore_mem>>)
    %dma_start3A_12 = arith.constant 1 : i32
    %dma_start3A_13 = arith.constant 1 : i32
    %dma_start3A_14 = arith.constant 0 : i32
    %dma_start3A_15 = arith.constant 0 : i32
    %dma_start3A_16 = tpu.memref_slice %arg6[%dma_start3A_13, %dma_start3A_14, %dma_start3A_15] : memref<2x104x128xf32, #tpu.memory_space<vmem>> -> memref<1x104x128xf32, #tpu.memory_space<vmem>>
    %dma_start3A_17 = tpu.memref_squeeze %dma_start3A_16 : memref<1x104x128xf32, #tpu.memory_space<vmem>> -> memref<104x128xf32, #tpu.memory_space<vmem>>
    %dma_start3A_18 = arith.constant 0 : i32
    %dma_start3A_19 = tpu.memref_slice %arg5[%dma_start3A_12, %dma_start3A_18] : memref<2x104xi32, #tpu.memory_space<vmem>> -> memref<1x104xi32, #tpu.memory_space<vmem>>
    %dma_start3A_20 = tpu.memref_squeeze %dma_start3A_19 : memref<1x104xi32, #tpu.memory_space<vmem>> -> memref<104xi32, #tpu.memory_space<vmem>>
    %dma_start3A_21 = arith.constant 0 : i32
    %dma_start3A_22 = arith.constant 0 : i32
    %dma_start3A_23 = tpu.memref_slice %arg2[%dma_start3A_21, %dma_start3A_22] : memref<100000x128xf32, #tpu.memory_space<hbm>> -> memref<100000x128xf32, #tpu.memory_space<hbm>>
    tpu.enqueue_indirect_dma source(%dma_start3A_23 : memref<100000x128xf32, #tpu.memory_space<hbm>>) target(%dma_start3A_17 : memref<104x128xf32, #tpu.memory_space<vmem>>) offsets(%dma_start3A_20 : memref<104xi32, #tpu.memory_space<vmem>>) semaphore(%arg7 : memref<!tpu.dma_semaphore, #tpu.memory_space<semaphore_mem>>)
    %dma_wait3A = arith.constant 0 : i32
    %dma_wait3A_24 = arith.constant 0 : i32
    %dma_wait3A_25 = arith.constant 0 : i32
    %dma_wait3A_26 = arith.constant 0 : i32
    %dma_wait3A_27 = tpu.memref_slice %arg6[%dma_wait3A_24, %dma_wait3A_25, %dma_wait3A_26] : memref<2x104x128xf32, #tpu.memory_space<vmem>> -> memref<1x104x128xf32, #tpu.memory_space<vmem>>
    %dma_wait3A_28 = tpu.memref_squeeze %dma_wait3A_27 : memref<1x104x128xf32, #tpu.memory_space<vmem>> -> memref<104x128xf32, #tpu.memory_space<vmem>>
    %dma_wait3A_29 = arith.constant 0 : i32
    %dma_wait3A_30 = tpu.memref_slice %arg5[%dma_wait3A, %dma_wait3A_29] : memref<2x104xi32, #tpu.memory_space<vmem>> -> memref<1x104xi32, #tpu.memory_space<vmem>>
    %dma_wait3A_31 = tpu.memref_squeeze %dma_wait3A_30 : memref<1x104xi32, #tpu.memory_space<vmem>> -> memref<104xi32, #tpu.memory_space<vmem>>
    %dma_wait3A_32 = arith.constant 0 : i32
    %dma_wait3A_33 = arith.constant 0 : i32
    %dma_wait3A_34 = tpu.memref_slice %arg2[%dma_wait3A_32, %dma_wait3A_33] : memref<100000x128xf32, #tpu.memory_space<hbm>> -> memref<100000x128xf32, #tpu.memory_space<hbm>>
    tpu.wait_indirect_dma semaphore(%arg7 : memref<!tpu.dma_semaphore, #tpu.memory_space<semaphore_mem>>) src(%dma_wait3A_34 : memref<100000x128xf32, #tpu.memory_space<hbm>>) dst(%dma_wait3A_28 : memref<104x128xf32, #tpu.memory_space<vmem>>)
    %dma_wait3A_35 = arith.constant 1 : i32
    %dma_wait3A_36 = arith.constant 1 : i32
    %dma_wait3A_37 = arith.constant 0 : i32
    %dma_wait3A_38 = arith.constant 0 : i32
    %dma_wait3A_39 = tpu.memref_slice %arg6[%dma_wait3A_36, %dma_wait3A_37, %dma_wait3A_38] : memref<2x104x128xf32, #tpu.memory_space<vmem>> -> memref<1x104x128xf32, #tpu.memory_space<vmem>>
    %dma_wait3A_40 = tpu.memref_squeeze %dma_wait3A_39 : memref<1x104x128xf32, #tpu.memory_space<vmem>> -> memref<104x128xf32, #tpu.memory_space<vmem>>
    %dma_wait3A_41 = arith.constant 0 : i32
    %dma_wait3A_42 = tpu.memref_slice %arg5[%dma_wait3A_35, %dma_wait3A_41] : memref<2x104xi32, #tpu.memory_space<vmem>> -> memref<1x104xi32, #tpu.memory_space<vmem>>
    %dma_wait3A_43 = tpu.memref_squeeze %dma_wait3A_42 : memref<1x104xi32, #tpu.memory_space<vmem>> -> memref<104xi32, #tpu.memory_space<vmem>>
    %dma_wait3A_44 = arith.constant 0 : i32
    %dma_wait3A_45 = arith.constant 0 : i32
    %dma_wait3A_46 = tpu.memref_slice %arg2[%dma_wait3A_44, %dma_wait3A_45] : memref<100000x128xf32, #tpu.memory_space<hbm>> -> memref<100000x128xf32, #tpu.memory_space<hbm>>
    tpu.wait_indirect_dma semaphore(%arg7 : memref<!tpu.dma_semaphore, #tpu.memory_space<semaphore_mem>>) src(%dma_wait3A_46 : memref<100000x128xf32, #tpu.memory_space<hbm>>) dst(%dma_wait3A_40 : memref<104x128xf32, #tpu.memory_space<vmem>>)
    "tpu.region"() ({
      %run_scoped3A = tpu.sem_alloc : memref<!tpu.dma_semaphore, #tpu.memory_space<semaphore_mem>>
      %dma_start3A_47 = arith.constant 0 : i32
      %dma_start3A_48 = arith.constant 0 : i32
      %dma_start3A_49 = arith.constant 0 : i32
      %dma_start3A_50 = tpu.memref_slice %arg4[%add3A, %dma_start3A_47, %dma_start3A_48, %dma_start3A_49] : memref<32x2x104x128xf32, #tpu.memory_space<hbm>> -> memref<1x2x104x128xf32, #tpu.memory_space<hbm>>
      %dma_start3A_51 = tpu.memref_squeeze %dma_start3A_50 : memref<1x2x104x128xf32, #tpu.memory_space<hbm>> -> memref<2x104x128xf32, #tpu.memory_space<hbm>>
      %dma_start3A_52 = arith.constant 0 : i32
      %dma_start3A_53 = arith.constant 0 : i32
      %dma_start3A_54 = arith.constant 0 : i32
      %dma_start3A_55 = tpu.memref_slice %arg4[%add3A, %dma_start3A_52, %dma_start3A_53, %dma_start3A_54] : memref<32x2x104x128xf32, #tpu.memory_space<hbm>> -> memref<1x2x104x128xf32, #tpu.memory_space<hbm>>
      %dma_start3A_56 = tpu.memref_squeeze %dma_start3A_55 : memref<1x2x104x128xf32, #tpu.memory_space<hbm>> -> memref<2x104x128xf32, #tpu.memory_space<hbm>>
      tpu.enqueue_dma source(%arg6 : memref<2x104x128xf32, #tpu.memory_space<vmem>>) target(%dma_start3A_56 : memref<2x104x128xf32, #tpu.memory_space<hbm>>) target_semaphore(%run_scoped3A : memref<!tpu.dma_semaphore, #tpu.memory_space<semaphore_mem>>)
      %dma_wait3A_57 = arith.constant 0 : i32
      %dma_wait3A_58 = arith.constant 0 : i32
      %dma_wait3A_59 = arith.constant 0 : i32
      %dma_wait3A_60 = tpu.memref_slice %arg4[%add3A, %dma_wait3A_57, %dma_wait3A_58, %dma_wait3A_59] : memref<32x2x104x128xf32, #tpu.memory_space<hbm>> -> memref<1x2x104x128xf32, #tpu.memory_space<hbm>>
      %dma_wait3A_61 = tpu.memref_squeeze %dma_wait3A_60 : memref<1x2x104x128xf32, #tpu.memory_space<hbm>> -> memref<2x104x128xf32, #tpu.memory_space<hbm>>
      %dma_wait3A_62 = arith.constant 0 : i32
      %dma_wait3A_63 = arith.constant 0 : i32
      %dma_wait3A_64 = arith.constant 0 : i32
      %dma_wait3A_65 = tpu.memref_slice %arg4[%add3A, %dma_wait3A_62, %dma_wait3A_63, %dma_wait3A_64] : memref<32x2x104x128xf32, #tpu.memory_space<hbm>> -> memref<1x2x104x128xf32, #tpu.memory_space<hbm>>
      %dma_wait3A_66 = tpu.memref_squeeze %dma_wait3A_65 : memref<1x2x104x128xf32, #tpu.memory_space<hbm>> -> memref<2x104x128xf32, #tpu.memory_space<hbm>>
      tpu.wait_dma2 semaphore(%run_scoped3A : memref<!tpu.dma_semaphore, #tpu.memory_space<semaphore_mem>>) src(%arg6 : memref<2x104x128xf32, #tpu.memory_space<vmem>>) dst(%dma_wait3A_66 : memref<2x104x128xf32, #tpu.memory_space<hbm>>)
      tpu.yield
    }) : () -> ()
    return
  }
}

module attributes {stable_mosaic.version = 14 : i64} {
  func.func @_tc_body(%arg0: memref<6656x128xf32, #tpu.memory_space<vmem>>, %arg1: memref<128x384xf32, #tpu.memory_space<vmem>>, %arg2: memref<128x384xf32, #tpu.memory_space<vmem>>, %arg3: memref<1x384xf32, #tpu.memory_space<vmem>>, %arg4: memref<1x384xf32, #tpu.memory_space<vmem>>, %arg5: memref<128x384xf32, #tpu.memory_space<vmem>>, %arg6: memref<128x384xf32, #tpu.memory_space<vmem>>, %arg7: memref<1x384xf32, #tpu.memory_space<vmem>>, %arg8: memref<1x384xf32, #tpu.memory_space<vmem>>, %arg9: memref<128x384xf32, #tpu.memory_space<vmem>>, %arg10: memref<384x384xf32, #tpu.memory_space<vmem>>, %arg11: memref<1x384xf32, #tpu.memory_space<vmem>>, %arg12: memref<384x256xf32, #tpu.memory_space<vmem>>, %arg13: memref<1x256xf32, #tpu.memory_space<vmem>>, %arg14: memref<256x128xf32, #tpu.memory_space<vmem>>, %arg15: memref<1x128xf32, #tpu.memory_space<vmem>>, %arg16: memref<128x128xf32, #tpu.memory_space<vmem>>, %arg17: memref<1x1xf32, #tpu.memory_space<vmem>>, %arg18: memref<128x128xf32, #tpu.memory_space<vmem>>, %arg19: memref<200x384xf32, #tpu.memory_space<vmem>>, %arg20: memref<6400x384xf32, #tpu.memory_space<vmem>>) attributes {dimension_semantics = [], scalar_prefetch = 0 : i64, scratch_operands = 2 : i64, tpu.core_type = #tpu.core_type<tc>} {
    %get3A = arith.constant 0 : index
    %get3A_0 = arith.constant 0 : index
    %get3A_1 = vector.load %arg0[%get3A, %get3A_0] : memref<6656x128xf32, #tpu.memory_space<vmem>>, vector<200x128xf32>
    %get3A_2 = arith.constant 0 : index
    %get3A_3 = arith.constant 0 : index
    %get3A_4 = vector.load %arg1[%get3A_2, %get3A_3] : memref<128x384xf32, #tpu.memory_space<vmem>>, vector<128x384xf32>
    %dot_general3A = arith.constant dense<0.000000e+00> : vector<200x384xf32>
    %dot_general3A_5 = tpu.matmul %get3A_1, %get3A_4, %dot_general3A {dimension_numbers = #tpu.dot_dimension_numbers<[1], [0], [0], [1], [0, 0, 1, 1], [], []>, transpose_lhs_hint = false} : vector<200x128xf32>, vector<128x384xf32>, vector<200x384xf32> -> vector<200x384xf32>
    %get3A_6 = arith.constant 0 : index
    %get3A_7 = arith.constant 0 : index
    %get3A_8 = vector.load %arg3[%get3A_6, %get3A_7] : memref<1x384xf32, #tpu.memory_space<vmem>>, vector<1x384xf32>
    %add3A = vector.broadcast %get3A_8 : vector<1x384xf32> to vector<200x384xf32>
    %add3A_9 = arith.addf %dot_general3A_5, %add3A : vector<200x384xf32>
    %swap3A = arith.constant 0 : index
    %swap3A_10 = arith.constant 0 : index
    %swap3A_11 = vector.load %arg19[%swap3A, %swap3A_10] : memref<200x384xf32, #tpu.memory_space<vmem>>, vector<200x384xf32>
    tpu.vector_store %arg19[%swap3A, %swap3A_10], %add3A_9 {strides = array<i32>} : memref<200x384xf32, #tpu.memory_space<vmem>>, vector<200x384xf32>,
    %get3A_12 = arith.constant 200 : index
    %get3A_13 = arith.constant 0 : index
    %get3A_14 = vector.load %arg0[%get3A_12, %get3A_13] : memref<6656x128xf32, #tpu.memory_space<vmem>>, vector<6400x128xf32>
    %get3A_15 = arith.constant 0 : index
    %get3A_16 = arith.constant 0 : index
    %get3A_17 = vector.load %arg5[%get3A_15, %get3A_16] : memref<128x384xf32, #tpu.memory_space<vmem>>, vector<128x384xf32>
    %dot_general3A_18 = arith.constant dense<0.000000e+00> : vector<6400x384xf32>
    %dot_general3A_19 = tpu.matmul %get3A_14, %get3A_17, %dot_general3A_18 {dimension_numbers = #tpu.dot_dimension_numbers<[1], [0], [0], [1], [0, 0, 1, 1], [], []>, transpose_lhs_hint = false} : vector<6400x128xf32>, vector<128x384xf32>, vector<6400x384xf32> -> vector<6400x384xf32>
    %get3A_20 = arith.constant 0 : index
    %get3A_21 = arith.constant 0 : index
    %get3A_22 = vector.load %arg7[%get3A_20, %get3A_21] : memref<1x384xf32, #tpu.memory_space<vmem>>, vector<1x384xf32>
    %add3A_23 = vector.broadcast %get3A_22 : vector<1x384xf32> to vector<6400x384xf32>
    %add3A_24 = arith.addf %dot_general3A_19, %add3A_23 : vector<6400x384xf32>
    %swap3A_25 = arith.constant 0 : index
    %swap3A_26 = arith.constant 0 : index
    %swap3A_27 = vector.load %arg20[%swap3A_25, %swap3A_26] : memref<6400x384xf32, #tpu.memory_space<vmem>>, vector<6400x384xf32>
    tpu.vector_store %arg20[%swap3A_25, %swap3A_26], %add3A_24 {strides = array<i32>} : memref<6400x384xf32, #tpu.memory_space<vmem>>, vector<6400x384xf32>,
    %get3A_28 = arith.constant 0 : index
    %get3A_29 = arith.constant 0 : index
    %get3A_30 = vector.load %arg2[%get3A_28, %get3A_29] : memref<128x384xf32, #tpu.memory_space<vmem>>, vector<128x384xf32>
    %get3A_31 = arith.constant 0 : index
    %get3A_32 = arith.constant 0 : index
    %get3A_33 = vector.load %arg4[%get3A_31, %get3A_32] : memref<1x384xf32, #tpu.memory_space<vmem>>, vector<1x384xf32>
    %get3A_34 = arith.constant 0 : index
    %get3A_35 = arith.constant 0 : index
    %get3A_36 = vector.load %arg6[%get3A_34, %get3A_35] : memref<128x384xf32, #tpu.memory_space<vmem>>, vector<128x384xf32>
    %get3A_37 = arith.constant 0 : index
    %get3A_38 = arith.constant 0 : index
    %get3A_39 = vector.load %arg8[%get3A_37, %get3A_38] : memref<1x384xf32, #tpu.memory_space<vmem>>, vector<1x384xf32>
    %broadcast_in_dim3A = arith.constant 0.000000e+00 : f32
    %broadcast_in_dim3A_40 = vector.broadcast %broadcast_in_dim3A : f32 to vector<1x128xf32>
    %broadcast_in_dim3A_41 = arith.constant 0.000000e+00 : f32
    %broadcast_in_dim3A_42 = vector.broadcast %broadcast_in_dim3A_41 : f32 to vector<128x128xf32>
    %scan3A = arith.constant 0 : i32
    %scan3A_43 = arith.constant 25 : i32
    %scan3A_44 = arith.addi %scan3A, %scan3A_43 : i32
    %scan3A_45 = arith.constant 1 : i32
    %scan3A_46:2 = scf.for %scan3A_106 = %scan3A to %scan3A_44 step %scan3A_45 iter_args(%scan3A_107 = %broadcast_in_dim3A_40, %scan3A_108 = %broadcast_in_dim3A_42) -> (vector<1x128xf32>, vector<128x128xf32>)  : i32 {
      %mul3A = arith.constant 8 : i32
      %mul3A_109 = arith.muli %scan3A_106, %mul3A : i32
      %get3A_110 = arith.index_cast %mul3A_109 : i32 to index
      %get3A_111 = arith.constant 0 : index
      %get3A_112 = vector.load %arg19[%get3A_110, %get3A_111] : memref<200x384xf32, #tpu.memory_space<vmem>>, vector<8x384xf32>
      %slice3A = vector.extract_strided_slice %get3A_112 {offsets = [0, 0], sizes = [1, 384], strides = [1, 1]} : vector<8x384xf32> to vector<1x384xf32>
      %dot_general3A_113 = arith.constant dense<0.000000e+00> : vector<1x384xf32>
      %dot_general3A_114 = tpu.matmul %scan3A_107, %get3A_30, %dot_general3A_113 {dimension_numbers = #tpu.dot_dimension_numbers<[1], [0], [0], [1], [0, 0, 1, 1], [], []>, transpose_lhs_hint = false} : vector<1x128xf32>, vector<128x384xf32>, vector<1x384xf32> -> vector<1x384xf32>
      %add3A_115 = arith.addf %dot_general3A_114, %get3A_33 : vector<1x384xf32>
      %slice3A_116 = vector.extract_strided_slice %slice3A {offsets = [0, 0], sizes = [1, 128], strides = [1, 1]} : vector<1x384xf32> to vector<1x128xf32>
      %slice3A_117 = vector.extract_strided_slice %add3A_115 {offsets = [0, 0], sizes = [1, 128], strides = [1, 1]} : vector<1x384xf32> to vector<1x128xf32>
      %add3A_118 = arith.addf %slice3A_116, %slice3A_117 : vector<1x128xf32>
      %logistic3A = arith.negf %add3A_118 : vector<1x128xf32>
      %logistic3A_119 = math.exp %logistic3A : vector<1x128xf32>
      %logistic3A_120 = arith.constant 1.000000e+00 : f32
      %logistic3A_121 = vector.broadcast %logistic3A_120 : f32 to vector<1x128xf32>
      %logistic3A_122 = arith.addf %logistic3A_121, %logistic3A_119 : vector<1x128xf32>
      %logistic3A_123 = arith.divf %logistic3A_121, %logistic3A_122 : vector<1x128xf32>
      %slice3A_124 = vector.extract_strided_slice %slice3A {offsets = [0, 128], sizes = [1, 128], strides = [1, 1]} : vector<1x384xf32> to vector<1x128xf32>
      %slice3A_125 = vector.extract_strided_slice %add3A_115 {offsets = [0, 128], sizes = [1, 128], strides = [1, 1]} : vector<1x384xf32> to vector<1x128xf32>
      %add3A_126 = arith.addf %slice3A_124, %slice3A_125 : vector<1x128xf32>
      %logistic3A_127 = arith.negf %add3A_126 : vector<1x128xf32>
      %logistic3A_128 = math.exp %logistic3A_127 : vector<1x128xf32>
      %logistic3A_129 = arith.constant 1.000000e+00 : f32
      %logistic3A_130 = vector.broadcast %logistic3A_129 : f32 to vector<1x128xf32>
      %logistic3A_131 = arith.addf %logistic3A_130, %logistic3A_128 : vector<1x128xf32>
      %logistic3A_132 = arith.divf %logistic3A_130, %logistic3A_131 : vector<1x128xf32>
      %slice3A_133 = vector.extract_strided_slice %slice3A {offsets = [0, 256], sizes = [1, 128], strides = [1, 1]} : vector<1x384xf32> to vector<1x128xf32>
      %slice3A_134 = vector.extract_strided_slice %add3A_115 {offsets = [0, 256], sizes = [1, 128], strides = [1, 1]} : vector<1x384xf32> to vector<1x128xf32>
      %mul3A_135 = arith.mulf %logistic3A_123, %slice3A_134 : vector<1x128xf32>
      %add3A_136 = arith.addf %slice3A_133, %mul3A_135 : vector<1x128xf32>
      %tanh3A = math.tanh %add3A_136 : vector<1x128xf32>
      %sub3A = arith.constant 1.000000e+00 : f32
      %sub3A_137 = vector.broadcast %sub3A : f32 to vector<1x128xf32>
      %sub3A_138 = arith.subf %sub3A_137, %logistic3A_132 : vector<1x128xf32>
      %mul3A_139 = arith.mulf %sub3A_138, %tanh3A : vector<1x128xf32>
      %mul3A_140 = arith.mulf %logistic3A_132, %scan3A_107 : vector<1x128xf32>
      %add3A_141 = arith.addf %mul3A_139, %mul3A_140 : vector<1x128xf32>
      %slice3A_142 = vector.extract_strided_slice %get3A_112 {offsets = [1, 0], sizes = [1, 384], strides = [1, 1]} : vector<8x384xf32> to vector<1x384xf32>
      %dot_general3A_143 = arith.constant dense<0.000000e+00> : vector<1x384xf32>
      %dot_general3A_144 = tpu.matmul %add3A_141, %get3A_30, %dot_general3A_143 {dimension_numbers = #tpu.dot_dimension_numbers<[1], [0], [0], [1], [0, 0, 1, 1], [], []>, transpose_lhs_hint = false} : vector<1x128xf32>, vector<128x384xf32>, vector<1x384xf32> -> vector<1x384xf32>
      %add3A_145 = arith.addf %dot_general3A_144, %get3A_33 : vector<1x384xf32>
      %slice3A_146 = vector.extract_strided_slice %slice3A_142 {offsets = [0, 0], sizes = [1, 128], strides = [1, 1]} : vector<1x384xf32> to vector<1x128xf32>
      %slice3A_147 = vector.extract_strided_slice %add3A_145 {offsets = [0, 0], sizes = [1, 128], strides = [1, 1]} : vector<1x384xf32> to vector<1x128xf32>
      %add3A_148 = arith.addf %slice3A_146, %slice3A_147 : vector<1x128xf32>
      %logistic3A_149 = arith.negf %add3A_148 : vector<1x128xf32>
      %logistic3A_150 = math.exp %logistic3A_149 : vector<1x128xf32>
      %logistic3A_151 = arith.constant 1.000000e+00 : f32
      %logistic3A_152 = vector.broadcast %logistic3A_151 : f32 to vector<1x128xf32>
      %logistic3A_153 = arith.addf %logistic3A_152, %logistic3A_150 : vector<1x128xf32>
      %logistic3A_154 = arith.divf %logistic3A_152, %logistic3A_153 : vector<1x128xf32>
      %slice3A_155 = vector.extract_strided_slice %slice3A_142 {offsets = [0, 128], sizes = [1, 128], strides = [1, 1]} : vector<1x384xf32> to vector<1x128xf32>
      %slice3A_156 = vector.extract_strided_slice %add3A_145 {offsets = [0, 128], sizes = [1, 128], strides = [1, 1]} : vector<1x384xf32> to vector<1x128xf32>
      %add3A_157 = arith.addf %slice3A_155, %slice3A_156 : vector<1x128xf32>
      %logistic3A_158 = arith.negf %add3A_157 : vector<1x128xf32>
      %logistic3A_159 = math.exp %logistic3A_158 : vector<1x128xf32>
      %logistic3A_160 = arith.constant 1.000000e+00 : f32
      %logistic3A_161 = vector.broadcast %logistic3A_160 : f32 to vector<1x128xf32>
      %logistic3A_162 = arith.addf %logistic3A_161, %logistic3A_159 : vector<1x128xf32>
      %logistic3A_163 = arith.divf %logistic3A_161, %logistic3A_162 : vector<1x128xf32>
      %slice3A_164 = vector.extract_strided_slice %slice3A_142 {offsets = [0, 256], sizes = [1, 128], strides = [1, 1]} : vector<1x384xf32> to vector<1x128xf32>
      %slice3A_165 = vector.extract_strided_slice %add3A_145 {offsets = [0, 256], sizes = [1, 128], strides = [1, 1]} : vector<1x384xf32> to vector<1x128xf32>
      %mul3A_166 = arith.mulf %logistic3A_154, %slice3A_165 : vector<1x128xf32>
      %add3A_167 = arith.addf %slice3A_164, %mul3A_166 : vector<1x128xf32>
      %tanh3A_168 = math.tanh %add3A_167 : vector<1x128xf32>
      %sub3A_169 = arith.constant 1.000000e+00 : f32
      %sub3A_170 = vector.broadcast %sub3A_169 : f32 to vector<1x128xf32>
      %sub3A_171 = arith.subf %sub3A_170, %logistic3A_163 : vector<1x128xf32>
      %mul3A_172 = arith.mulf %sub3A_171, %tanh3A_168 : vector<1x128xf32>
      %mul3A_173 = arith.mulf %logistic3A_163, %add3A_141 : vector<1x128xf32>
      %add3A_174 = arith.addf %mul3A_172, %mul3A_173 : vector<1x128xf32>
      %slice3A_175 = vector.extract_strided_slice %get3A_112 {offsets = [2, 0], sizes = [1, 384], strides = [1, 1]} : vector<8x384xf32> to vector<1x384xf32>
      %dot_general3A_176 = arith.constant dense<0.000000e+00> : vector<1x384xf32>
      %dot_general3A_177 = tpu.matmul %add3A_174, %get3A_30, %dot_general3A_176 {dimension_numbers = #tpu.dot_dimension_numbers<[1], [0], [0], [1], [0, 0, 1, 1], [], []>, transpose_lhs_hint = false} : vector<1x128xf32>, vector<128x384xf32>, vector<1x384xf32> -> vector<1x384xf32>
      %add3A_178 = arith.addf %dot_general3A_177, %get3A_33 : vector<1x384xf32>
      %slice3A_179 = vector.extract_strided_slice %slice3A_175 {offsets = [0, 0], sizes = [1, 128], strides = [1, 1]} : vector<1x384xf32> to vector<1x128xf32>
      %slice3A_180 = vector.extract_strided_slice %add3A_178 {offsets = [0, 0], sizes = [1, 128], strides = [1, 1]} : vector<1x384xf32> to vector<1x128xf32>
      %add3A_181 = arith.addf %slice3A_179, %slice3A_180 : vector<1x128xf32>
      %logistic3A_182 = arith.negf %add3A_181 : vector<1x128xf32>
      %logistic3A_183 = math.exp %logistic3A_182 : vector<1x128xf32>
      %logistic3A_184 = arith.constant 1.000000e+00 : f32
      %logistic3A_185 = vector.broadcast %logistic3A_184 : f32 to vector<1x128xf32>
      %logistic3A_186 = arith.addf %logistic3A_185, %logistic3A_183 : vector<1x128xf32>
      %logistic3A_187 = arith.divf %logistic3A_185, %logistic3A_186 : vector<1x128xf32>
      %slice3A_188 = vector.extract_strided_slice %slice3A_175 {offsets = [0, 128], sizes = [1, 128], strides = [1, 1]} : vector<1x384xf32> to vector<1x128xf32>
      %slice3A_189 = vector.extract_strided_slice %add3A_178 {offsets = [0, 128], sizes = [1, 128], strides = [1, 1]} : vector<1x384xf32> to vector<1x128xf32>
      %add3A_190 = arith.addf %slice3A_188, %slice3A_189 : vector<1x128xf32>
      %logistic3A_191 = arith.negf %add3A_190 : vector<1x128xf32>
      %logistic3A_192 = math.exp %logistic3A_191 : vector<1x128xf32>
      %logistic3A_193 = arith.constant 1.000000e+00 : f32
      %logistic3A_194 = vector.broadcast %logistic3A_193 : f32 to vector<1x128xf32>
      %logistic3A_195 = arith.addf %logistic3A_194, %logistic3A_192 : vector<1x128xf32>
      %logistic3A_196 = arith.divf %logistic3A_194, %logistic3A_195 : vector<1x128xf32>
      %slice3A_197 = vector.extract_strided_slice %slice3A_175 {offsets = [0, 256], sizes = [1, 128], strides = [1, 1]} : vector<1x384xf32> to vector<1x128xf32>
      %slice3A_198 = vector.extract_strided_slice %add3A_178 {offsets = [0, 256], sizes = [1, 128], strides = [1, 1]} : vector<1x384xf32> to vector<1x128xf32>
      %mul3A_199 = arith.mulf %logistic3A_187, %slice3A_198 : vector<1x128xf32>
      %add3A_200 = arith.addf %slice3A_197, %mul3A_199 : vector<1x128xf32>
      %tanh3A_201 = math.tanh %add3A_200 : vector<1x128xf32>
      %sub3A_202 = arith.constant 1.000000e+00 : f32
      %sub3A_203 = vector.broadcast %sub3A_202 : f32 to vector<1x128xf32>
      %sub3A_204 = arith.subf %sub3A_203, %logistic3A_196 : vector<1x128xf32>
      %mul3A_205 = arith.mulf %sub3A_204, %tanh3A_201 : vector<1x128xf32>
      %mul3A_206 = arith.mulf %logistic3A_196, %add3A_174 : vector<1x128xf32>
      %add3A_207 = arith.addf %mul3A_205, %mul3A_206 : vector<1x128xf32>
      %slice3A_208 = vector.extract_strided_slice %get3A_112 {offsets = [3, 0], sizes = [1, 384], strides = [1, 1]} : vector<8x384xf32> to vector<1x384xf32>
      %dot_general3A_209 = arith.constant dense<0.000000e+00> : vector<1x384xf32>
      %dot_general3A_210 = tpu.matmul %add3A_207, %get3A_30, %dot_general3A_209 {dimension_numbers = #tpu.dot_dimension_numbers<[1], [0], [0], [1], [0, 0, 1, 1], [], []>, transpose_lhs_hint = false} : vector<1x128xf32>, vector<128x384xf32>, vector<1x384xf32> -> vector<1x384xf32>
      %add3A_211 = arith.addf %dot_general3A_210, %get3A_33 : vector<1x384xf32>
      %slice3A_212 = vector.extract_strided_slice %slice3A_208 {offsets = [0, 0], sizes = [1, 128], strides = [1, 1]} : vector<1x384xf32> to vector<1x128xf32>
      %slice3A_213 = vector.extract_strided_slice %add3A_211 {offsets = [0, 0], sizes = [1, 128], strides = [1, 1]} : vector<1x384xf32> to vector<1x128xf32>
      %add3A_214 = arith.addf %slice3A_212, %slice3A_213 : vector<1x128xf32>
      %logistic3A_215 = arith.negf %add3A_214 : vector<1x128xf32>
      %logistic3A_216 = math.exp %logistic3A_215 : vector<1x128xf32>
      %logistic3A_217 = arith.constant 1.000000e+00 : f32
      %logistic3A_218 = vector.broadcast %logistic3A_217 : f32 to vector<1x128xf32>
      %logistic3A_219 = arith.addf %logistic3A_218, %logistic3A_216 : vector<1x128xf32>
      %logistic3A_220 = arith.divf %logistic3A_218, %logistic3A_219 : vector<1x128xf32>
      %slice3A_221 = vector.extract_strided_slice %slice3A_208 {offsets = [0, 128], sizes = [1, 128], strides = [1, 1]} : vector<1x384xf32> to vector<1x128xf32>
      %slice3A_222 = vector.extract_strided_slice %add3A_211 {offsets = [0, 128], sizes = [1, 128], strides = [1, 1]} : vector<1x384xf32> to vector<1x128xf32>
      %add3A_223 = arith.addf %slice3A_221, %slice3A_222 : vector<1x128xf32>
      %logistic3A_224 = arith.negf %add3A_223 : vector<1x128xf32>
      %logistic3A_225 = math.exp %logistic3A_224 : vector<1x128xf32>
      %logistic3A_226 = arith.constant 1.000000e+00 : f32
      %logistic3A_227 = vector.broadcast %logistic3A_226 : f32 to vector<1x128xf32>
      %logistic3A_228 = arith.addf %logistic3A_227, %logistic3A_225 : vector<1x128xf32>
      %logistic3A_229 = arith.divf %logistic3A_227, %logistic3A_228 : vector<1x128xf32>
      %slice3A_230 = vector.extract_strided_slice %slice3A_208 {offsets = [0, 256], sizes = [1, 128], strides = [1, 1]} : vector<1x384xf32> to vector<1x128xf32>
      %slice3A_231 = vector.extract_strided_slice %add3A_211 {offsets = [0, 256], sizes = [1, 128], strides = [1, 1]} : vector<1x384xf32> to vector<1x128xf32>
      %mul3A_232 = arith.mulf %logistic3A_220, %slice3A_231 : vector<1x128xf32>
      %add3A_233 = arith.addf %slice3A_230, %mul3A_232 : vector<1x128xf32>
      %tanh3A_234 = math.tanh %add3A_233 : vector<1x128xf32>
      %sub3A_235 = arith.constant 1.000000e+00 : f32
      %sub3A_236 = vector.broadcast %sub3A_235 : f32 to vector<1x128xf32>
      %sub3A_237 = arith.subf %sub3A_236, %logistic3A_229 : vector<1x128xf32>
      %mul3A_238 = arith.mulf %sub3A_237, %tanh3A_234 : vector<1x128xf32>
      %mul3A_239 = arith.mulf %logistic3A_229, %add3A_207 : vector<1x128xf32>
      %add3A_240 = arith.addf %mul3A_238, %mul3A_239 : vector<1x128xf32>
      %slice3A_241 = vector.extract_strided_slice %get3A_112 {offsets = [4, 0], sizes = [1, 384], strides = [1, 1]} : vector<8x384xf32> to vector<1x384xf32>
      %dot_general3A_242 = arith.constant dense<0.000000e+00> : vector<1x384xf32>
      %dot_general3A_243 = tpu.matmul %add3A_240, %get3A_30, %dot_general3A_242 {dimension_numbers = #tpu.dot_dimension_numbers<[1], [0], [0], [1], [0, 0, 1, 1], [], []>, transpose_lhs_hint = false} : vector<1x128xf32>, vector<128x384xf32>, vector<1x384xf32> -> vector<1x384xf32>
      %add3A_244 = arith.addf %dot_general3A_243, %get3A_33 : vector<1x384xf32>
      %slice3A_245 = vector.extract_strided_slice %slice3A_241 {offsets = [0, 0], sizes = [1, 128], strides = [1, 1]} : vector<1x384xf32> to vector<1x128xf32>
      %slice3A_246 = vector.extract_strided_slice %add3A_244 {offsets = [0, 0], sizes = [1, 128], strides = [1, 1]} : vector<1x384xf32> to vector<1x128xf32>
      %add3A_247 = arith.addf %slice3A_245, %slice3A_246 : vector<1x128xf32>
      %logistic3A_248 = arith.negf %add3A_247 : vector<1x128xf32>
      %logistic3A_249 = math.exp %logistic3A_248 : vector<1x128xf32>
      %logistic3A_250 = arith.constant 1.000000e+00 : f32
      %logistic3A_251 = vector.broadcast %logistic3A_250 : f32 to vector<1x128xf32>
      %logistic3A_252 = arith.addf %logistic3A_251, %logistic3A_249 : vector<1x128xf32>
      %logistic3A_253 = arith.divf %logistic3A_251, %logistic3A_252 : vector<1x128xf32>
      %slice3A_254 = vector.extract_strided_slice %slice3A_241 {offsets = [0, 128], sizes = [1, 128], strides = [1, 1]} : vector<1x384xf32> to vector<1x128xf32>
      %slice3A_255 = vector.extract_strided_slice %add3A_244 {offsets = [0, 128], sizes = [1, 128], strides = [1, 1]} : vector<1x384xf32> to vector<1x128xf32>
      %add3A_256 = arith.addf %slice3A_254, %slice3A_255 : vector<1x128xf32>
      %logistic3A_257 = arith.negf %add3A_256 : vector<1x128xf32>
      %logistic3A_258 = math.exp %logistic3A_257 : vector<1x128xf32>
      %logistic3A_259 = arith.constant 1.000000e+00 : f32
      %logistic3A_260 = vector.broadcast %logistic3A_259 : f32 to vector<1x128xf32>
      %logistic3A_261 = arith.addf %logistic3A_260, %logistic3A_258 : vector<1x128xf32>
      %logistic3A_262 = arith.divf %logistic3A_260, %logistic3A_261 : vector<1x128xf32>
      %slice3A_263 = vector.extract_strided_slice %slice3A_241 {offsets = [0, 256], sizes = [1, 128], strides = [1, 1]} : vector<1x384xf32> to vector<1x128xf32>
      %slice3A_264 = vector.extract_strided_slice %add3A_244 {offsets = [0, 256], sizes = [1, 128], strides = [1, 1]} : vector<1x384xf32> to vector<1x128xf32>
      %mul3A_265 = arith.mulf %logistic3A_253, %slice3A_264 : vector<1x128xf32>
      %add3A_266 = arith.addf %slice3A_263, %mul3A_265 : vector<1x128xf32>
      %tanh3A_267 = math.tanh %add3A_266 : vector<1x128xf32>
      %sub3A_268 = arith.constant 1.000000e+00 : f32
      %sub3A_269 = vector.broadcast %sub3A_268 : f32 to vector<1x128xf32>
      %sub3A_270 = arith.subf %sub3A_269, %logistic3A_262 : vector<1x128xf32>
      %mul3A_271 = arith.mulf %sub3A_270, %tanh3A_267 : vector<1x128xf32>
      %mul3A_272 = arith.mulf %logistic3A_262, %add3A_240 : vector<1x128xf32>
      %add3A_273 = arith.addf %mul3A_271, %mul3A_272 : vector<1x128xf32>
      %slice3A_274 = vector.extract_strided_slice %get3A_112 {offsets = [5, 0], sizes = [1, 384], strides = [1, 1]} : vector<8x384xf32> to vector<1x384xf32>
      %dot_general3A_275 = arith.constant dense<0.000000e+00> : vector<1x384xf32>
      %dot_general3A_276 = tpu.matmul %add3A_273, %get3A_30, %dot_general3A_275 {dimension_numbers = #tpu.dot_dimension_numbers<[1], [0], [0], [1], [0, 0, 1, 1], [], []>, transpose_lhs_hint = false} : vector<1x128xf32>, vector<128x384xf32>, vector<1x384xf32> -> vector<1x384xf32>
      %add3A_277 = arith.addf %dot_general3A_276, %get3A_33 : vector<1x384xf32>
      %slice3A_278 = vector.extract_strided_slice %slice3A_274 {offsets = [0, 0], sizes = [1, 128], strides = [1, 1]} : vector<1x384xf32> to vector<1x128xf32>
      %slice3A_279 = vector.extract_strided_slice %add3A_277 {offsets = [0, 0], sizes = [1, 128], strides = [1, 1]} : vector<1x384xf32> to vector<1x128xf32>
      %add3A_280 = arith.addf %slice3A_278, %slice3A_279 : vector<1x128xf32>
      %logistic3A_281 = arith.negf %add3A_280 : vector<1x128xf32>
      %logistic3A_282 = math.exp %logistic3A_281 : vector<1x128xf32>
      %logistic3A_283 = arith.constant 1.000000e+00 : f32
      %logistic3A_284 = vector.broadcast %logistic3A_283 : f32 to vector<1x128xf32>
      %logistic3A_285 = arith.addf %logistic3A_284, %logistic3A_282 : vector<1x128xf32>
      %logistic3A_286 = arith.divf %logistic3A_284, %logistic3A_285 : vector<1x128xf32>
      %slice3A_287 = vector.extract_strided_slice %slice3A_274 {offsets = [0, 128], sizes = [1, 128], strides = [1, 1]} : vector<1x384xf32> to vector<1x128xf32>
      %slice3A_288 = vector.extract_strided_slice %add3A_277 {offsets = [0, 128], sizes = [1, 128], strides = [1, 1]} : vector<1x384xf32> to vector<1x128xf32>
      %add3A_289 = arith.addf %slice3A_287, %slice3A_288 : vector<1x128xf32>
      %logistic3A_290 = arith.negf %add3A_289 : vector<1x128xf32>
      %logistic3A_291 = math.exp %logistic3A_290 : vector<1x128xf32>
      %logistic3A_292 = arith.constant 1.000000e+00 : f32
      %logistic3A_293 = vector.broadcast %logistic3A_292 : f32 to vector<1x128xf32>
      %logistic3A_294 = arith.addf %logistic3A_293, %logistic3A_291 : vector<1x128xf32>
      %logistic3A_295 = arith.divf %logistic3A_293, %logistic3A_294 : vector<1x128xf32>
      %slice3A_296 = vector.extract_strided_slice %slice3A_274 {offsets = [0, 256], sizes = [1, 128], strides = [1, 1]} : vector<1x384xf32> to vector<1x128xf32>
      %slice3A_297 = vector.extract_strided_slice %add3A_277 {offsets = [0, 256], sizes = [1, 128], strides = [1, 1]} : vector<1x384xf32> to vector<1x128xf32>
      %mul3A_298 = arith.mulf %logistic3A_286, %slice3A_297 : vector<1x128xf32>
      %add3A_299 = arith.addf %slice3A_296, %mul3A_298 : vector<1x128xf32>
      %tanh3A_300 = math.tanh %add3A_299 : vector<1x128xf32>
      %sub3A_301 = arith.constant 1.000000e+00 : f32
      %sub3A_302 = vector.broadcast %sub3A_301 : f32 to vector<1x128xf32>
      %sub3A_303 = arith.subf %sub3A_302, %logistic3A_295 : vector<1x128xf32>
      %mul3A_304 = arith.mulf %sub3A_303, %tanh3A_300 : vector<1x128xf32>
      %mul3A_305 = arith.mulf %logistic3A_295, %add3A_273 : vector<1x128xf32>
      %add3A_306 = arith.addf %mul3A_304, %mul3A_305 : vector<1x128xf32>
      %slice3A_307 = vector.extract_strided_slice %get3A_112 {offsets = [6, 0], sizes = [1, 384], strides = [1, 1]} : vector<8x384xf32> to vector<1x384xf32>
      %dot_general3A_308 = arith.constant dense<0.000000e+00> : vector<1x384xf32>
      %dot_general3A_309 = tpu.matmul %add3A_306, %get3A_30, %dot_general3A_308 {dimension_numbers = #tpu.dot_dimension_numbers<[1], [0], [0], [1], [0, 0, 1, 1], [], []>, transpose_lhs_hint = false} : vector<1x128xf32>, vector<128x384xf32>, vector<1x384xf32> -> vector<1x384xf32>
      %add3A_310 = arith.addf %dot_general3A_309, %get3A_33 : vector<1x384xf32>
      %slice3A_311 = vector.extract_strided_slice %slice3A_307 {offsets = [0, 0], sizes = [1, 128], strides = [1, 1]} : vector<1x384xf32> to vector<1x128xf32>
      %slice3A_312 = vector.extract_strided_slice %add3A_310 {offsets = [0, 0], sizes = [1, 128], strides = [1, 1]} : vector<1x384xf32> to vector<1x128xf32>
      %add3A_313 = arith.addf %slice3A_311, %slice3A_312 : vector<1x128xf32>
      %logistic3A_314 = arith.negf %add3A_313 : vector<1x128xf32>
      %logistic3A_315 = math.exp %logistic3A_314 : vector<1x128xf32>
      %logistic3A_316 = arith.constant 1.000000e+00 : f32
      %logistic3A_317 = vector.broadcast %logistic3A_316 : f32 to vector<1x128xf32>
      %logistic3A_318 = arith.addf %logistic3A_317, %logistic3A_315 : vector<1x128xf32>
      %logistic3A_319 = arith.divf %logistic3A_317, %logistic3A_318 : vector<1x128xf32>
      %slice3A_320 = vector.extract_strided_slice %slice3A_307 {offsets = [0, 128], sizes = [1, 128], strides = [1, 1]} : vector<1x384xf32> to vector<1x128xf32>
      %slice3A_321 = vector.extract_strided_slice %add3A_310 {offsets = [0, 128], sizes = [1, 128], strides = [1, 1]} : vector<1x384xf32> to vector<1x128xf32>
      %add3A_322 = arith.addf %slice3A_320, %slice3A_321 : vector<1x128xf32>
      %logistic3A_323 = arith.negf %add3A_322 : vector<1x128xf32>
      %logistic3A_324 = math.exp %logistic3A_323 : vector<1x128xf32>
      %logistic3A_325 = arith.constant 1.000000e+00 : f32
      %logistic3A_326 = vector.broadcast %logistic3A_325 : f32 to vector<1x128xf32>
      %logistic3A_327 = arith.addf %logistic3A_326, %logistic3A_324 : vector<1x128xf32>
      %logistic3A_328 = arith.divf %logistic3A_326, %logistic3A_327 : vector<1x128xf32>
      %slice3A_329 = vector.extract_strided_slice %slice3A_307 {offsets = [0, 256], sizes = [1, 128], strides = [1, 1]} : vector<1x384xf32> to vector<1x128xf32>
      %slice3A_330 = vector.extract_strided_slice %add3A_310 {offsets = [0, 256], sizes = [1, 128], strides = [1, 1]} : vector<1x384xf32> to vector<1x128xf32>
      %mul3A_331 = arith.mulf %logistic3A_319, %slice3A_330 : vector<1x128xf32>
      %add3A_332 = arith.addf %slice3A_329, %mul3A_331 : vector<1x128xf32>
      %tanh3A_333 = math.tanh %add3A_332 : vector<1x128xf32>
      %sub3A_334 = arith.constant 1.000000e+00 : f32
      %sub3A_335 = vector.broadcast %sub3A_334 : f32 to vector<1x128xf32>
      %sub3A_336 = arith.subf %sub3A_335, %logistic3A_328 : vector<1x128xf32>
      %mul3A_337 = arith.mulf %sub3A_336, %tanh3A_333 : vector<1x128xf32>
      %mul3A_338 = arith.mulf %logistic3A_328, %add3A_306 : vector<1x128xf32>
      %add3A_339 = arith.addf %mul3A_337, %mul3A_338 : vector<1x128xf32>
      %slice3A_340 = vector.extract_strided_slice %get3A_112 {offsets = [7, 0], sizes = [1, 384], strides = [1, 1]} : vector<8x384xf32> to vector<1x384xf32>
      %dot_general3A_341 = arith.constant dense<0.000000e+00> : vector<1x384xf32>
      %dot_general3A_342 = tpu.matmul %add3A_339, %get3A_30, %dot_general3A_341 {dimension_numbers = #tpu.dot_dimension_numbers<[1], [0], [0], [1], [0, 0, 1, 1], [], []>, transpose_lhs_hint = false} : vector<1x128xf32>, vector<128x384xf32>, vector<1x384xf32> -> vector<1x384xf32>
      %add3A_343 = arith.addf %dot_general3A_342, %get3A_33 : vector<1x384xf32>
      %slice3A_344 = vector.extract_strided_slice %slice3A_340 {offsets = [0, 0], sizes = [1, 128], strides = [1, 1]} : vector<1x384xf32> to vector<1x128xf32>
      %slice3A_345 = vector.extract_strided_slice %add3A_343 {offsets = [0, 0], sizes = [1, 128], strides = [1, 1]} : vector<1x384xf32> to vector<1x128xf32>
      %add3A_346 = arith.addf %slice3A_344, %slice3A_345 : vector<1x128xf32>
      %logistic3A_347 = arith.negf %add3A_346 : vector<1x128xf32>
      %logistic3A_348 = math.exp %logistic3A_347 : vector<1x128xf32>
      %logistic3A_349 = arith.constant 1.000000e+00 : f32
      %logistic3A_350 = vector.broadcast %logistic3A_349 : f32 to vector<1x128xf32>
      %logistic3A_351 = arith.addf %logistic3A_350, %logistic3A_348 : vector<1x128xf32>
      %logistic3A_352 = arith.divf %logistic3A_350, %logistic3A_351 : vector<1x128xf32>
      %slice3A_353 = vector.extract_strided_slice %slice3A_340 {offsets = [0, 128], sizes = [1, 128], strides = [1, 1]} : vector<1x384xf32> to vector<1x128xf32>
      %slice3A_354 = vector.extract_strided_slice %add3A_343 {offsets = [0, 128], sizes = [1, 128], strides = [1, 1]} : vector<1x384xf32> to vector<1x128xf32>
      %add3A_355 = arith.addf %slice3A_353, %slice3A_354 : vector<1x128xf32>
      %logistic3A_356 = arith.negf %add3A_355 : vector<1x128xf32>
      %logistic3A_357 = math.exp %logistic3A_356 : vector<1x128xf32>
      %logistic3A_358 = arith.constant 1.000000e+00 : f32
      %logistic3A_359 = vector.broadcast %logistic3A_358 : f32 to vector<1x128xf32>
      %logistic3A_360 = arith.addf %logistic3A_359, %logistic3A_357 : vector<1x128xf32>
      %logistic3A_361 = arith.divf %logistic3A_359, %logistic3A_360 : vector<1x128xf32>
      %slice3A_362 = vector.extract_strided_slice %slice3A_340 {offsets = [0, 256], sizes = [1, 128], strides = [1, 1]} : vector<1x384xf32> to vector<1x128xf32>
      %slice3A_363 = vector.extract_strided_slice %add3A_343 {offsets = [0, 256], sizes = [1, 128], strides = [1, 1]} : vector<1x384xf32> to vector<1x128xf32>
      %mul3A_364 = arith.mulf %logistic3A_352, %slice3A_363 : vector<1x128xf32>
      %add3A_365 = arith.addf %slice3A_362, %mul3A_364 : vector<1x128xf32>
      %tanh3A_366 = math.tanh %add3A_365 : vector<1x128xf32>
      %sub3A_367 = arith.constant 1.000000e+00 : f32
      %sub3A_368 = vector.broadcast %sub3A_367 : f32 to vector<1x128xf32>
      %sub3A_369 = arith.subf %sub3A_368, %logistic3A_361 : vector<1x128xf32>
      %mul3A_370 = arith.mulf %sub3A_369, %tanh3A_366 : vector<1x128xf32>
      %mul3A_371 = arith.mulf %logistic3A_361, %add3A_339 : vector<1x128xf32>
      %add3A_372 = arith.addf %mul3A_370, %mul3A_371 : vector<1x128xf32>
      %mul3A_373 = arith.constant 2 : i32
      %mul3A_374 = arith.muli %scan3A_106, %mul3A_373 : i32
      %add3A_375 = arith.constant 0 : i32
      %add3A_376 = arith.addi %mul3A_374, %add3A_375 : i32
      %mul3A_377 = arith.constant 128 : i32
      %mul3A_378 = arith.muli %add3A_376, %mul3A_377 : i32
      %get3A_379 = arith.index_cast %mul3A_378 : i32 to index
      %get3A_380 = arith.constant 0 : index
      %get3A_381 = vector.load %arg20[%get3A_379, %get3A_380] : memref<6400x384xf32, #tpu.memory_space<vmem>>, vector<128x384xf32>
      %dot_general3A_382 = arith.constant dense<0.000000e+00> : vector<128x384xf32>
      %dot_general3A_383 = tpu.matmul %scan3A_108, %get3A_36, %dot_general3A_382 {dimension_numbers = #tpu.dot_dimension_numbers<[1], [0], [0], [1], [0, 0, 1, 1], [], []>, transpose_lhs_hint = false} : vector<128x128xf32>, vector<128x384xf32>, vector<128x384xf32> -> vector<128x384xf32>
      %add3A_384 = vector.broadcast %get3A_39 : vector<1x384xf32> to vector<128x384xf32>
      %add3A_385 = arith.addf %dot_general3A_383, %add3A_384 : vector<128x384xf32>
      %slice3A_386 = vector.extract_strided_slice %get3A_381 {offsets = [0, 0], sizes = [128, 128], strides = [1, 1]} : vector<128x384xf32> to vector<128x128xf32>
      %slice3A_387 = vector.extract_strided_slice %add3A_385 {offsets = [0, 0], sizes = [128, 128], strides = [1, 1]} : vector<128x384xf32> to vector<128x128xf32>
      %add3A_388 = arith.addf %slice3A_386, %slice3A_387 : vector<128x128xf32>
      %logistic3A_389 = arith.negf %add3A_388 : vector<128x128xf32>
      %logistic3A_390 = math.exp %logistic3A_389 : vector<128x128xf32>
      %logistic3A_391 = arith.constant 1.000000e+00 : f32
      %logistic3A_392 = vector.broadcast %logistic3A_391 : f32 to vector<128x128xf32>
      %logistic3A_393 = arith.addf %logistic3A_392, %logistic3A_390 : vector<128x128xf32>
      %logistic3A_394 = arith.divf %logistic3A_392, %logistic3A_393 : vector<128x128xf32>
      %slice3A_395 = vector.extract_strided_slice %get3A_381 {offsets = [0, 128], sizes = [128, 128], strides = [1, 1]} : vector<128x384xf32> to vector<128x128xf32>
      %slice3A_396 = vector.extract_strided_slice %add3A_385 {offsets = [0, 128], sizes = [128, 128], strides = [1, 1]} : vector<128x384xf32> to vector<128x128xf32>
      %add3A_397 = arith.addf %slice3A_395, %slice3A_396 : vector<128x128xf32>
      %logistic3A_398 = arith.negf %add3A_397 : vector<128x128xf32>
      %logistic3A_399 = math.exp %logistic3A_398 : vector<128x128xf32>
      %logistic3A_400 = arith.constant 1.000000e+00 : f32
      %logistic3A_401 = vector.broadcast %logistic3A_400 : f32 to vector<128x128xf32>
      %logistic3A_402 = arith.addf %logistic3A_401, %logistic3A_399 : vector<128x128xf32>
      %logistic3A_403 = arith.divf %logistic3A_401, %logistic3A_402 : vector<128x128xf32>
      %slice3A_404 = vector.extract_strided_slice %get3A_381 {offsets = [0, 256], sizes = [128, 128], strides = [1, 1]} : vector<128x384xf32> to vector<128x128xf32>
      %slice3A_405 = vector.extract_strided_slice %add3A_385 {offsets = [0, 256], sizes = [128, 128], strides = [1, 1]} : vector<128x384xf32> to vector<128x128xf32>
      %mul3A_406 = arith.mulf %logistic3A_394, %slice3A_405 : vector<128x128xf32>
      %add3A_407 = arith.addf %slice3A_404, %mul3A_406 : vector<128x128xf32>
      %tanh3A_408 = math.tanh %add3A_407 : vector<128x128xf32>
      %sub3A_409 = arith.constant 1.000000e+00 : f32
      %sub3A_410 = vector.broadcast %sub3A_409 : f32 to vector<128x128xf32>
      %sub3A_411 = arith.subf %sub3A_410, %logistic3A_403 : vector<128x128xf32>
      %mul3A_412 = arith.mulf %sub3A_411, %tanh3A_408 : vector<128x128xf32>
      %mul3A_413 = arith.mulf %logistic3A_403, %scan3A_108 : vector<128x128xf32>
      %add3A_414 = arith.addf %mul3A_412, %mul3A_413 : vector<128x128xf32>
      %mul3A_415 = arith.constant 2 : i32
      %mul3A_416 = arith.muli %scan3A_106, %mul3A_415 : i32
      %add3A_417 = arith.constant 1 : i32
      %add3A_418 = arith.addi %mul3A_416, %add3A_417 : i32
      %mul3A_419 = arith.constant 128 : i32
      %mul3A_420 = arith.muli %add3A_418, %mul3A_419 : i32
      %get3A_421 = arith.index_cast %mul3A_420 : i32 to index
      %get3A_422 = arith.constant 0 : index
      %get3A_423 = vector.load %arg20[%get3A_421, %get3A_422] : memref<6400x384xf32, #tpu.memory_space<vmem>>, vector<128x384xf32>
      %dot_general3A_424 = arith.constant dense<0.000000e+00> : vector<128x384xf32>
      %dot_general3A_425 = tpu.matmul %add3A_414, %get3A_36, %dot_general3A_424 {dimension_numbers = #tpu.dot_dimension_numbers<[1], [0], [0], [1], [0, 0, 1, 1], [], []>, transpose_lhs_hint = false} : vector<128x128xf32>, vector<128x384xf32>, vector<128x384xf32> -> vector<128x384xf32>
      %add3A_426 = vector.broadcast %get3A_39 : vector<1x384xf32> to vector<128x384xf32>
      %add3A_427 = arith.addf %dot_general3A_425, %add3A_426 : vector<128x384xf32>
      %slice3A_428 = vector.extract_strided_slice %get3A_423 {offsets = [0, 0], sizes = [128, 128], strides = [1, 1]} : vector<128x384xf32> to vector<128x128xf32>
      %slice3A_429 = vector.extract_strided_slice %add3A_427 {offsets = [0, 0], sizes = [128, 128], strides = [1, 1]} : vector<128x384xf32> to vector<128x128xf32>
      %add3A_430 = arith.addf %slice3A_428, %slice3A_429 : vector<128x128xf32>
      %logistic3A_431 = arith.negf %add3A_430 : vector<128x128xf32>
      %logistic3A_432 = math.exp %logistic3A_431 : vector<128x128xf32>
      %logistic3A_433 = arith.constant 1.000000e+00 : f32
      %logistic3A_434 = vector.broadcast %logistic3A_433 : f32 to vector<128x128xf32>
      %logistic3A_435 = arith.addf %logistic3A_434, %logistic3A_432 : vector<128x128xf32>
      %logistic3A_436 = arith.divf %logistic3A_434, %logistic3A_435 : vector<128x128xf32>
      %slice3A_437 = vector.extract_strided_slice %get3A_423 {offsets = [0, 128], sizes = [128, 128], strides = [1, 1]} : vector<128x384xf32> to vector<128x128xf32>
      %slice3A_438 = vector.extract_strided_slice %add3A_427 {offsets = [0, 128], sizes = [128, 128], strides = [1, 1]} : vector<128x384xf32> to vector<128x128xf32>
      %add3A_439 = arith.addf %slice3A_437, %slice3A_438 : vector<128x128xf32>
      %logistic3A_440 = arith.negf %add3A_439 : vector<128x128xf32>
      %logistic3A_441 = math.exp %logistic3A_440 : vector<128x128xf32>
      %logistic3A_442 = arith.constant 1.000000e+00 : f32
      %logistic3A_443 = vector.broadcast %logistic3A_442 : f32 to vector<128x128xf32>
      %logistic3A_444 = arith.addf %logistic3A_443, %logistic3A_441 : vector<128x128xf32>
      %logistic3A_445 = arith.divf %logistic3A_443, %logistic3A_444 : vector<128x128xf32>
      %slice3A_446 = vector.extract_strided_slice %get3A_423 {offsets = [0, 256], sizes = [128, 128], strides = [1, 1]} : vector<128x384xf32> to vector<128x128xf32>
      %slice3A_447 = vector.extract_strided_slice %add3A_427 {offsets = [0, 256], sizes = [128, 128], strides = [1, 1]} : vector<128x384xf32> to vector<128x128xf32>
      %mul3A_448 = arith.mulf %logistic3A_436, %slice3A_447 : vector<128x128xf32>
      %add3A_449 = arith.addf %slice3A_446, %mul3A_448 : vector<128x128xf32>
      %tanh3A_450 = math.tanh %add3A_449 : vector<128x128xf32>
      %sub3A_451 = arith.constant 1.000000e+00 : f32
      %sub3A_452 = vector.broadcast %sub3A_451 : f32 to vector<128x128xf32>
      %sub3A_453 = arith.subf %sub3A_452, %logistic3A_445 : vector<128x128xf32>
      %mul3A_454 = arith.mulf %sub3A_453, %tanh3A_450 : vector<128x128xf32>
      %mul3A_455 = arith.mulf %logistic3A_445, %add3A_414 : vector<128x128xf32>
      %add3A_456 = arith.addf %mul3A_454, %mul3A_455 : vector<128x128xf32>
      scf.yield %add3A_372, %add3A_456 : vector<1x128xf32>, vector<128x128xf32>
    }
    %scan3A_47 = arith.constant 25 : i32
    %concatenate3A = tpu.concatenate %scan3A_46#0, %scan3A_46#0, %scan3A_46#0 in 1 : vector<1x128xf32>, vector<1x128xf32>, vector<1x128xf32> -> vector<1x384xf32>
    %get3A_48 = arith.constant 0 : index
    %get3A_49 = arith.constant 0 : index
    %get3A_50 = vector.load %arg10[%get3A_48, %get3A_49] : memref<384x384xf32, #tpu.memory_space<vmem>>, vector<384x384xf32>
    %dot_general3A_51 = arith.constant dense<0.000000e+00> : vector<1x384xf32>
    %dot_general3A_52 = tpu.matmul %concatenate3A, %get3A_50, %dot_general3A_51 {dimension_numbers = #tpu.dot_dimension_numbers<[1], [0], [0], [1], [0, 0, 1, 1], [], []>, transpose_lhs_hint = false} : vector<1x384xf32>, vector<384x384xf32>, vector<1x384xf32> -> vector<1x384xf32>
    %get3A_53 = arith.constant 0 : index
    %get3A_54 = arith.constant 0 : index
    %get3A_55 = vector.load %arg9[%get3A_53, %get3A_54] : memref<128x384xf32, #tpu.memory_space<vmem>>, vector<128x384xf32>
    %dot_general3A_56 = arith.constant dense<0.000000e+00> : vector<128x384xf32>
    %dot_general3A_57 = tpu.matmul %scan3A_46#1, %get3A_55, %dot_general3A_56 {dimension_numbers = #tpu.dot_dimension_numbers<[1], [0], [0], [1], [0, 0, 1, 1], [], []>, transpose_lhs_hint = false} : vector<128x128xf32>, vector<128x384xf32>, vector<128x384xf32> -> vector<128x384xf32>
    %add3A_58 = vector.broadcast %dot_general3A_52 : vector<1x384xf32> to vector<128x384xf32>
    %add3A_59 = arith.addf %dot_general3A_57, %add3A_58 : vector<128x384xf32>
    %get3A_60 = arith.constant 0 : index
    %get3A_61 = arith.constant 0 : index
    %get3A_62 = vector.load %arg11[%get3A_60, %get3A_61] : memref<1x384xf32, #tpu.memory_space<vmem>>, vector<1x384xf32>
    %add3A_63 = vector.broadcast %get3A_62 : vector<1x384xf32> to vector<128x384xf32>
    %add3A_64 = arith.addf %add3A_59, %add3A_63 : vector<128x384xf32>
    %max3A = arith.constant 0.000000e+00 : f32
    %max3A_65 = vector.broadcast %max3A : f32 to vector<128x384xf32>
    %max3A_66 = arith.maximumf %add3A_64, %max3A_65 : vector<128x384xf32>
    %get3A_67 = arith.constant 0 : index
    %get3A_68 = arith.constant 0 : index
    %get3A_69 = vector.load %arg12[%get3A_67, %get3A_68] : memref<384x256xf32, #tpu.memory_space<vmem>>, vector<384x256xf32>
    %dot_general3A_70 = arith.constant dense<0.000000e+00> : vector<128x256xf32>
    %dot_general3A_71 = tpu.matmul %max3A_66, %get3A_69, %dot_general3A_70 {dimension_numbers = #tpu.dot_dimension_numbers<[1], [0], [0], [1], [0, 0, 1, 1], [], []>, transpose_lhs_hint = false} : vector<128x384xf32>, vector<384x256xf32>, vector<128x256xf32> -> vector<128x256xf32>
    %get3A_72 = arith.constant 0 : index
    %get3A_73 = arith.constant 0 : index
    %get3A_74 = vector.load %arg13[%get3A_72, %get3A_73] : memref<1x256xf32, #tpu.memory_space<vmem>>, vector<1x256xf32>
    %add3A_75 = vector.broadcast %get3A_74 : vector<1x256xf32> to vector<128x256xf32>
    %add3A_76 = arith.addf %dot_general3A_71, %add3A_75 : vector<128x256xf32>
    %max3A_77 = arith.constant 0.000000e+00 : f32
    %max3A_78 = vector.broadcast %max3A_77 : f32 to vector<128x256xf32>
    %max3A_79 = arith.maximumf %add3A_76, %max3A_78 : vector<128x256xf32>
    %get3A_80 = arith.constant 0 : index
    %get3A_81 = arith.constant 0 : index
    %get3A_82 = vector.load %arg14[%get3A_80, %get3A_81] : memref<256x128xf32, #tpu.memory_space<vmem>>, vector<256x128xf32>
    %dot_general3A_83 = arith.constant dense<0.000000e+00> : vector<128x128xf32>
    %dot_general3A_84 = tpu.matmul %max3A_79, %get3A_82, %dot_general3A_83 {dimension_numbers = #tpu.dot_dimension_numbers<[1], [0], [0], [1], [0, 0, 1, 1], [], []>, transpose_lhs_hint = false} : vector<128x256xf32>, vector<256x128xf32>, vector<128x128xf32> -> vector<128x128xf32>
    %get3A_85 = arith.constant 0 : index
    %get3A_86 = arith.constant 0 : index
    %get3A_87 = vector.load %arg15[%get3A_85, %get3A_86] : memref<1x128xf32, #tpu.memory_space<vmem>>, vector<1x128xf32>
    %add3A_88 = vector.broadcast %get3A_87 : vector<1x128xf32> to vector<128x128xf32>
    %add3A_89 = arith.addf %dot_general3A_84, %add3A_88 : vector<128x128xf32>
    %max3A_90 = arith.constant 0.000000e+00 : f32
    %max3A_91 = vector.broadcast %max3A_90 : f32 to vector<128x128xf32>
    %max3A_92 = arith.maximumf %add3A_89, %max3A_91 : vector<128x128xf32>
    %get3A_93 = arith.constant 0 : index
    %get3A_94 = arith.constant 0 : index
    %get3A_95 = vector.load %arg16[%get3A_93, %get3A_94] : memref<128x128xf32, #tpu.memory_space<vmem>>, vector<128x128xf32>
    %dot_general3A_96 = arith.constant dense<0.000000e+00> : vector<128x128xf32>
    %dot_general3A_97 = tpu.matmul %max3A_92, %get3A_95, %dot_general3A_96 {dimension_numbers = #tpu.dot_dimension_numbers<[1], [0], [0], [1], [0, 0, 1, 1], [], []>, transpose_lhs_hint = false} : vector<128x128xf32>, vector<128x128xf32>, vector<128x128xf32> -> vector<128x128xf32>
    %get3A_98 = arith.constant 0 : index
    %get3A_99 = arith.constant 0 : index
    %get3A_100 = vector.load %arg17[%get3A_98, %get3A_99] : memref<1x1xf32, #tpu.memory_space<vmem>>, vector<1x1xf32>
    %add3A_101 = vector.broadcast %get3A_100 : vector<1x1xf32> to vector<128x128xf32>
    %add3A_102 = arith.addf %dot_general3A_97, %add3A_101 : vector<128x128xf32>
    %swap3A_103 = arith.constant 0 : index
    %swap3A_104 = arith.constant 0 : index
    %swap3A_105 = vector.load %arg18[%swap3A_103, %swap3A_104] : memref<128x128xf32, #tpu.memory_space<vmem>>, vector<128x128xf32>
    tpu.vector_store %arg18[%swap3A_103, %swap3A_104], %add3A_102 {strides = array<i32>} : memref<128x128xf32, #tpu.memory_space<vmem>>, vector<128x128xf32>,
    return
  }
}

</mosaic_0001>

<sc_bundles>
// kernel: kernel.4.cloned.1.call-start
scs
__scs_entry_jumppad:
0x0: {  	(pc) =	sbr.rel $0x88, $3  }
0x1: {  	(tag) =	ssettag $0x0;
	lr =	simm.s32 $0x1  }
0x2: {  	[smem:$0x3F8E] =	sst lr;
	_ =	strace $0xD0000000  }
0x3: {  	_ = 	snop  }
0x4: {  	_ = 	snop  }
0x5: {  	_ = 	snop  }
0x6: {  	_ = 	snop  }
0x7: {  	_ = 	snop  }
__scs_overlays_trampoline_lowered:
0x8: {  	[smem:$0x3F9D] =	sst s0  }
0x9: {  	[smem:$0x3F9E] =	sst s1  }
0xa: {  	[smem:$0x3F9F] =	sst s2  }
0xb: {  	[smem:$0x3FA0] =	sst s3  }
0xc: {  	[smem:$0x3FA1] =	sst s4  }
0xd: {  	[smem:$0x3FA2] =	sst s5  }
0xe: {  	[smem:$0x3FA3] =	sst s6  }
0xf: {  	[smem:$0x3FA4] =	sst s7  }
0x10: {  	[smem:$0x3FA5] =	sst s8  }
0x11: {  	[smem:$0x3FA6] =	sst s9;
	s0 =	simm.s32 @!p0 $0x0  }
0x12: {  	s1 =	sld [smem:$0x3F8C];
	s0 =	simm.s32 @p0 $0x1  }
0x13: {  	[smem:$0x3FA7] =	sst s0;
	s0 =	simm.s32 @!p1 $0x0  }
0x14: {  	s2 =	sld [smem:$0x3F8B];
	s0 =	simm.s32 @p1 $0x1  }
0x15: {  	[smem:$0x3FA8] =	sst s0;
	s0 =	simm.s32 @!p2 $0x0  }
0x16: {  	s3 =	sld [smem:$0x3FDB];
	s0 =	simm.s32 @p2 $0x1  }
0x17: {  	s4 =	simm.s32 $0x1BF5;
	[smem:$0x3FAA] =	sst s0  }
0x18: {  	s0 =	sld [smem:$0x3F8D];
	_ =	swait.ge [sflag:s4], $0x0  }
0x19: {  	s7 =	sld [smem:$0x3F8E]  }
0x1a: {  	s8 =	sadd.s32 $0xFFFFE003, lr  }
0x1b: {  	s9 =	sadd.s32 $0xFFFFFEF7, lr;
	s5 =	simm.s32 $0xFFFFFFFF;
	p2 =	slt.u32 s8, $0xFFFFF086  }
0x1c: {  	p1 =	slt.u32 s9, $0xF7A;
	s5 =	simm.s32 @!p2 $0x0  }
0x1d: {  	s5 =	simm.s32 @p1 $0x1;
	p0 =	seq.s32 s7, s2  }
0x1e: {  	s7 =	smul.u32 @!p0 $0xF7A, s2;
	p2 =	seq.s32 @!p0 s5, $0x0  }
0x1f: {  	s9 =	smul.u32 $0xF7A, s1;
	s8 =	simm.s32 @!p0 $0x1BF5;
	p2 =	por !p2, p0  }
0x20: {  	[sflag:s8] =	ssyncset.s32 @!p0 $0xFFFFF086;
	s6 =	sadd.s32 @!p0 s3, s7;
	s7 =	simm.s32 @!p0 $0x108  }
0x21: {  	s3 =	sadd.s32 s3, s9;
	s6 =	sadd.s32 @!p0 $0x88, s6;
	s7 =	simm.s32 @p2 $0x1082  }
0x22: {  	[simem:s7], [sflag:s8] =	dma.local @!p0 [hbm:s6], $0xF7A  }
0x23: {  	s9 =	sor.u32 $0xD0000000, s2;
	s6 =	simm.s32 $0x108;
	_ =	swait.ge @!p0 [sflag:s8], $0x0  }
0x24: {  	s3 =	sadd.s32 $0x88, s3;
	s6 =	simm.s32 @!p1 $0x1082;
	[sflag:s4] =	ssyncset.s32 $0xFFFFF086  }
0x25: {  	[simem:s6], [sflag:s4] =	dma.local [hbm:s3], $0xF7A  }
0x26: {  	[smem:$0x3F8E] =	sst s1;
	(tag) =	ssettag s2;
	_ =	strace s9  }
0x27: {  	s1 =	sld [smem:$0x3F9E]  }
0x28: {  	s2 =	sld [smem:$0x3F9F]  }
0x29: {  	s4 =	sld [smem:$0x3FA1]  }
0x2a: {  	p0 =	seq.s32 s5, $0x0;
	s5 =	sld [smem:$0x3FA2]  }
0x2b: {  	s6 =	sld [smem:$0x3FA3]  }
0x2c: {  	s7 =	sld [smem:$0x3FA4]  }
0x2d: {  	s3 =	simm.s32 $0x108;
	s8 =	sld [smem:$0x3FA5]  }
0x2e: {  	s3 =	simm.s32 @!p0 $0x1082;
	s9 =	sld [smem:$0x3FA6]  }
0x2f: {  	lr =	sadd.s32 s0, s3;
	s0 =	sld [smem:$0x3F9D]  }
0x30: {  	s3 =	sld [smem:$0x3FA0]  }
0x31: {  	[smem:$0x3FA9] =	sst s10  }
0x32: {  	s10 =	sld [smem:$0x3FA7];
	_ =	sdelay $0x3  }
0x33: {  	p0 =	seq.s32 s10, $0x1;
	s10 =	sld [smem:$0x3FA9];
	_ =	sdelay $0x3  }
0x34: {  	[smem:$0x3FA9] =	sst s10  }
0x35: {  	s10 =	sld [smem:$0x3FA8];
	_ =	sdelay $0x3  }
0x36: {  	p1 =	seq.s32 s10, $0x1;
	s10 =	sld [smem:$0x3FA9];
	_ =	sdelay $0x3  }
0x37: {  	[smem:$0x3FA9] =	sst s10  }
0x38: {  	s10 =	sld [smem:$0x3FAA]  }
0x39: {  	_ = 	snop;
	(pc) =	sbr.ind lr, $3  }
0x3a: {  	_ = 	snop  }
0x3b: {  	_ = 	snop  }
0x3c: {  	p2 =	seq.s32 s10, $0x1;
	s10 =	sld [smem:$0x3FA9]  }
0x3d: {  	_ =	shalt  }
0x3e: {  	_ =	shalt  }
0x3f: {  	_ =	shalt  }
0x40: {  	_ =	shalt  }
0x41: {  	_ =	shalt  }
0x42: {  	_ =	shalt  }
0x43: {  	_ =	shalt  }
0x44: {  	_ =	shalt  }
0x45: {  	_ =	shalt  }
0x46: {  	_ =	shalt  }
0x47: {  	_ =	shalt  }
0x48: {  	_ =	shalt  }
0x49: {  	_ =	shalt  }
0x4a: {  	_ =	shalt  }
0x4b: {  	_ =	shalt  }
0x4c: {  	_ =	shalt  }
0x4d: {  	_ =	shalt  }
0x4e: {  	_ =	shalt  }
0x4f: {  	_ =	shalt  }
0x50: {  	_ =	shalt  }
0x51: {  	_ =	shalt  }
0x52: {  	_ =	shalt  }
0x53: {  	_ =	shalt  }
0x54: {  	_ =	shalt  }
0x55: {  	_ =	shalt  }
0x56: {  	_ =	shalt  }
0x57: {  	_ =	shalt  }
0x58: {  	_ =	shalt  }
0x59: {  	_ =	shalt  }
0x5a: {  	_ =	shalt  }
0x5b: {  	_ =	shalt  }
0x5c: {  	_ =	shalt  }
0x5d: {  	_ =	shalt  }
0x5e: {  	_ =	shalt  }
0x5f: {  	_ =	shalt  }
0x60: {  	_ =	shalt  }
0x61: {  	_ =	shalt  }
0x62: {  	_ =	shalt  }
0x63: {  	_ =	shalt  }
0x64: {  	_ =	shalt  }
0x65: {  	_ =	shalt  }
0x66: {  	_ =	shalt  }
0x67: {  	_ =	shalt  }
0x68: {  	_ =	shalt  }
0x69: {  	_ =	shalt  }
0x6a: {  	_ =	shalt  }
0x6b: {  	_ =	shalt  }
0x6c: {  	_ =	shalt  }
0x6d: {  	_ =	shalt  }
0x6e: {  	_ =	shalt  }
0x6f: {  	_ =	shalt  }
0x70: {  	_ =	shalt  }
0x71: {  	_ =	shalt  }
0x72: {  	_ =	shalt  }
0x73: {  	_ =	shalt  }
0x74: {  	_ =	shalt  }
0x75: {  	_ =	shalt  }
0x76: {  	_ =	shalt  }
0x77: {  	_ =	shalt  }
0x78: {  	_ =	shalt  }
0x79: {  	_ =	shalt  }
0x7a: {  	_ =	shalt  }
0x7b: {  	_ =	shalt  }
0x7c: {  	_ =	shalt  }
0x7d: {  	_ =	shalt  }
0x7e: {  	_ =	shalt  }
0x7f: {  	_ =	shalt  }
0x80: {  	_ =	shalt  }
0x81: {  	_ =	shalt  }
0x82: {  	_ =	shalt  }
0x83: {  	_ =	shalt  }
0x84: {  	_ =	shalt  }
0x85: {  	_ =	shalt  }
0x86: {  	_ =	shalt  }
0x87: {  	_ =	shalt  }
.Lfunc_end0:
.L_simem_size_0:
called_computation_lowered:
.L_overlay_start_0:
0x88: {  	s2 =	sld [smem:$0x3FD9]  }
0x89: {  	s3 =	sld [smem:$0x3FFE];
	_ =	sdelay $0x1  }
0x8a: {  	s1 =	srdreg.scid  }
0x8b: {  	s0 =	sand.u32 $0x1, s1  }
0x8c: {  	s17 =	sshll.u32 s0, $0xA;
	s2 =	sadd.s32 s3, s2  }
0x8d: {  	s2 =	sadd.s32 s2, s17  }
0x8e: {  	[smem:$0x3FB5] =	sst s2  }
0x8f: {  	_ = 	snop  }
0x90: {  	s2 =	sld [smem:$0x3FC7];
	(tm) =	ssettm $0x1  }
0x91: {  	s18 =	sld [smem:$0x3FFB];
	_ =	sdelay $0x3  }
0x92: {  	_ =	strace s18  }
0x93: {  	s3 =	sld [smem:$0x3FFC];
	_ =	sdelay $0x3  }
0x94: {  	_ =	strace s3  }
0x95: {  	s3 =	sld [smem:$0x3FFD];
	_ =	sdelay $0x3  }
0x96: {  	_ =	strace s3  }
0x97: {  	_ =	strace $0x8FFFFFFF  }
0x98: {  	s19 =	sld [smem:$0x3FDB];
	_ =	sdelay $0x1  }
0x99: {  	s4 =	simm.s32 $_scs_section_size  }
0x9a: {  	s5 =	simm.s32 $_size__tile_overlayer_lowered;
	s6 =	simm.s32 $_tile_overlayer_lowered  }
0x9b: {  	s22 =	simm.s32 $0x1BFF;
	s21 =	sshll.u32 s6, $0x1;
	s3 =	sadd.s32 s4, s19  }
0x9c: {  	s7 =	simm.s32 $0x0;
	s20 =	sshll.u32 s5, $0x1;
	s5 =	sadd.s32 s21, s3  }
0x9d: {  	[timem:s7], [sflag:s22] =	dma.local [hbm:s5], s20  }
0x9e: {  	_ =	swait.ge [sflag:s22], s20  }
0x9f: {  	s4 =	ssub.s32 $0x0, s20;
	[sflag:s22] =	ssyncset.done $0x0  }
0xa0: {  	[sflag:s22] =	ssyncadd.s32 s4;
	_ =	sdelay $0x1  }
0xa1: {  	s23 =	simm.s32 $0x1B8B  }
0xa2: {  	_ =	swait.ge [sflag:s23], $0x1  }
0xa3: {  	[sflag:s23] =	ssyncset.done $0x0  }
0xa4: {  	s25 =	simm.s32 $0x1B8E;
	s24 =	sld [smem:$0x3FFE];
	[sflag:s23] =	ssyncadd.s32 $0xFFFFFFFF  }
0xa5: {  	s26 =	simm.s32 $execute0_lowered;
	[smem:$0x3FD2] =	sst s25  }
0xa6: {  	s5 =	sshll.u32 s26, $0x1;
	_ =	strace $0x80000046;
	[dreg:$0x1] =	wrdreg $0xFFFFFFFF  }
0xa7: {  	s28 =	simm.s32 $_size_execute0_lowered;
	s3 =	sadd.s32 s3, s5;
	[dreg:$0x0] =	wrdreg $0x0  }
0xa8: {  	s5 =	sshll.u32 s28, $0x1;
	[dreg:$0x2] =	wrdreg s3  }
0xa9: {  	[dreg:$0x3] =	wrdreg s5  }
0xaa: {  	[dreg:$0x4] =	wrdreg $0xC0  }
0xab: {  	_ =	task [dreg:s7], $0x5FFFF  }
0xac: {  	[dreg:$0x1] =	wrdreg $0xFFFFFFFF  }
0xad: {  	[dreg:$0x0] =	wrdreg $0x60  }
0xae: {  	[dreg:$0x2] =	wrdreg s2  }
0xaf: {  	[dreg:$0x3] =	wrdreg s24  }
0xb0: {  	[dreg:$0x4] =	wrdreg $0x9  }
0xb1: {  	_ =	task.clear_ibuf [dreg:s7], $0x5FFFF;
	_ =	strace $0x90000046  }
0xb2: {  	s29 =	simm.s32 $0x9;
	_ =	strace $0x80000048  }
0xb3: {  	_ =	swait.ge [sflag:s29], $0x1  }
0xb4: {  	[sflag:s29] =	ssyncadd.s32 $0xFFFFFFFF  }
0xb5: {  	_ =	strace $0x90000048  }
0xb6: {  	_ =	sfence  }
0xb7: {  	s30 =	sld [smem:$0x0];
	_ =	sdelay $0x2  }
0xb8: {  	s31 =	sshll.u32 s1, $0xD;
	s1 =	sshrl.u32 s1, $0x2  }
0xb9: {  	s3 =	sand.u32 $0x4000, s31;
	s1 =	sadd.s32 s1, s30  }
0xba: {  	s0 =	sor.u32 s3, s0;
	s1 =	sshll.u32 s1, $0x11  }
0xbb: {  	s0 =	sor.u32 s1, s0  }
0xbc: {  	s0 =	sadd.s32 $0x8F2B, s0  }
0xbd: {  	[sflag:s0] =	ssyncadd.remote.s32 $0x1  }
0xbe: {  	_ =	sfence.sel $0xFFFF  }
0xbf: {  	[dreg:$0x0] =	wrdreg $0xFFFFFFFF;
	(pc) =	sbr.abs _section_cstart, $3  }
0xc0: {  	[dreg:$0x1] =	wrdreg $0xFFFFFFFF  }
0xc1: {  	_ =	task.clear_ibuf [dreg:s7], $0x2FFFF;
	_ =	strace $0x9FFFFFFF  }
0xc2: {  	(tm) =	ssettm $0x7FFFFFFF  }
0xc3: {  	_ =	shalt  }
tec
execute0_lowered:
.L_overlay_start_1:
0x0: {  	(tag) =	ssettag $0x1  }
0x1: {  	s1 =	srdreg.scid;
	s0 =	stileid.u32  }
0x2: {  	s2 =	rddreg [dreg:$0x0];
	s11 =	sand.u32 $0x1, s1;
	s29 =	sshll.u32 s0, $0x1  }
0x3: {  	s12 =	rddreg [dreg:$0x1];
	s13 =	sor.u32 s11, s29  }
0x4: {  	s3 =	simm.s32 $0x0;
	s1 =	rddreg [dreg:$0x2];
	s4 =	sshll.u32 s13, $0x5  }
0x5: {  	[smem:$0x7FF] =	sst s3;
	s4 =	sadd.s32 s4, s12  }
0x6: {  	_ =	strace $0x80000047;
	s5 =	sadd.s32 $0x2400, s4;
	s4 =	simm.s32 $0x2  }
0x7: {  	[tilespmem:s3], [sflag:$0x2] =	stream.linear.gather [hbm4b:s5+s3], $0x100, $0x38;
	[tilespmem:$0x6900] =	vst v63  }
0x8: {  	_ =	swait.ge [sflag:s4], $0x100  }
0x9: {  	s6 =	simm.s32 $0x68;
	[sflag:s4] =	ssyncset.done $0x0  }
0xa: {  	s7 =	simm.s32 $0x100;
	s8 =	simm.s32 $0x80;
	[sflag:s4] =	ssyncadd.s32 $0xFFFFFF00  }
0xb: {  	[tilespmem:s7], [sflag:$0x1] =	stream.indirect.gather [hbm4b:s2+s6], $0x80, s3, s6, $0xb8;
	[tilespmem:$0x6900] =	vst v63  }
0xc: {  	s9 =	simm.s32 $0x3500;
	s10 =	simm.s32 $0x1;
	s11 =	ssub.s32 $0x2, s11  }
0xd: {  	[tilespmem:s9], [sflag:$0x1] =	stream.indirect.gather [hbm4b:s2+s6], $0x80, s8, s6, $0xb8;
	[tilespmem:$0x6900] =	vst v63  }
0xe: {  	s14 =	sshrl.u32 s11, $0x1;
	_ =	swait.ge [sflag:s10], $0x3400  }
0xf: {  	s30 =	ssub.s32 s11, s14;
	[sflag:s10] =	ssyncset.done $0x0  }
0x10: {  	s13 =	smul.u32 $0xD00, s13;
	s31 =	smax.u32 s30, $0x1;
	[sflag:s10] =	ssyncadd.s32 $0xFFFFCC00  }
0x11: {  	p0 =	sne.s32 s31, $0x1;
	_ =	swait.ge [sflag:s10], $0x3400  }
.Ltmp0:
0x12: {  	s12 =	sadd.s32 s13, s12;
	[sflag:s10] =	ssyncset.done $0x0;
	(pc) =	sbr.rel @!p0 .LBB2_2-.Ltmp0, $4  }
0x13: {  	s11 =	sadd.s32 $0x2800, s12;
	[sflag:s10] =	ssyncadd.s32 $0xFFFFCC00  }
0x14: {  	[hbm4b:s11+s3] =	stream.linear.scatter [tilespmem:s7], [sflag:$0x2], $0x6800, $0x38;
	[tilespmem:$0x6900] =	vst v63  }
0x15: {  	_ =	swait.ge [sflag:s4], $0x6800  }
0x16: {  	s12 =	sadd.s32 $0xFFFFFFFF, s31;
	[sflag:s4] =	ssyncset.done $0x0  }
.LBB2_1:
0x17: {  	p0 =	sne.s32 s12, $0x1;
	s12 =	sadd.s32 $0xFFFFFFFF, s12;
	[sflag:s4] =	ssyncadd.s32 $0xFFFF9800  }
0x18: {  	[tilespmem:s3], [sflag:$0x2] =	stream.linear.gather [hbm4b:s5+s3], $0x100, $0x38;
	[tilespmem:$0x6900] =	vst v63  }
0x19: {  	_ =	swait.ge [sflag:s4], $0x100  }
0x1a: {  	[sflag:s4] =	ssyncset.done $0x0  }
0x1b: {  	[sflag:s4] =	ssyncadd.s32 $0xFFFFFF00  }
0x1c: {  	[tilespmem:s7], [sflag:$0x1] =	stream.indirect.gather [hbm4b:s2+s6], $0x80, s3, s6, $0xb8;
	[tilespmem:$0x6900] =	vst v63  }
0x1d: {  	_ = 	snop  }
0x1e: {  	[tilespmem:s9], [sflag:$0x1] =	stream.indirect.gather [hbm4b:s2+s6], $0x80, s8, s6, $0xb8;
	[tilespmem:$0x6900] =	vst v63  }
0x1f: {  	_ =	swait.ge [sflag:s10], $0x3400  }
0x20: {  	[sflag:s10] =	ssyncset.done $0x0  }
0x21: {  	[sflag:s10] =	ssyncadd.s32 $0xFFFFCC00  }
0x22: {  	_ =	swait.ge [sflag:s10], $0x3400  }
.Ltmp1:
0x23: {  	[sflag:s10] =	ssyncset.done $0x0;
	(pc) =	sbr.rel @p0 .LBB2_1-.Ltmp1, $4  }
0x24: {  	[sflag:s10] =	ssyncadd.s32 $0xFFFFCC00  }
0x25: {  	[hbm4b:s11+s3] =	stream.linear.scatter [tilespmem:s7], [sflag:$0x2], $0x6800, $0x38;
	[tilespmem:$0x6900] =	vst v63  }
0x26: {  	_ =	swait.ge [sflag:s4], $0x6800  }
0x27: {  	[sflag:s4] =	ssyncset.done $0x0  }
.LBB2_2:
0x28: {  	[sflag:s4] =	ssyncadd.s32 $0xFFFF9800  }
0x29: {  	_ =	sfence.sel $0x180000  }
0x2a: {  	[bflag:$0x0] =	sbarrier.arrive $0xFFFF  }
0x2b: {  	p0 =	sne.s32 s0, $0x0;
	_ =	strace $0x90000047  }
0x2c: {  	s0 =	sadd.s32 @!p0 $0x100000, s1;
	[bflag:$0x2] =	sbarrier.arrive $0xFFFF  }
0x2d: {  	[sflag:s0] =	ssyncadd.tile.s32 @!p0 $0x1;
	_ =	shalt  }
.Lfunc_end2:
_tile_overlayer_lowered:
.L_overlay_start_2:
0x2e: {  	(tag) =	ssettag $0x2  }
0x2f: {  	s0 =	rddreg [dreg:$0x0];
	s2 =	stileid.u32  }
0x30: {  	s1 =	rddreg [dreg:$0x1];
	p0 =	sne.s32 s2, $0x0  }
0x31: {  	s3 =	rddreg [dreg:$0x2];
	[bflag:$0x3] =	sbarrier.arrive $0xFFFF;
	s2 =	simm.s32 @!p0 $0x1C02  }
0x32: {  	[timem:s3], [sflag:s2] =	dma.local @!p0 [hbm:s0], s1  }
0x33: {  	s0 =	simm.s32 @!p0 $0x2  }
0x34: {  	_ =	swait.ge @!p0 [sflag:s0], s1  }
0x35: {  	s1 =	ssub.s32 @!p0 $0x0, s1;
	[sflag:s0] =	ssyncset.done @!p0 $0x0  }
0x36: {  	[sflag:s0] =	ssyncadd.s32 @!p0 s1  }
0x37: {  	[bflag:$0x3] =	sbarrier.arrive $0xFFFF  }
0x38: {  	_ =	shalt  }

</sc_bundles>
